<compile_context>
chip_gen: v7x
topology: tpu7x:2x2x1
jax: 0.10.2.dev20260603
libtpu: 0.0.44.dev20260713+nightly
codegen_flags: <defaults>
</compile_context>

<pallas_src>
import functools
import math

import jax
import jax.numpy as jnp
from jax import lax
from jax.experimental import pallas as pl
from jax.experimental.pallas import tpu as pltpu
from jax.experimental.pallas import tpu_sc as plsc

_LANES = 16
_CHUNK = 64


def _emb_kernel_body(n_per_w, n_ch, num_cores, scale, d_model, seq_len,
                     idx_hbm, table_hbm, out_hbm, idx_v, rows_v, *sems):
    gather_sems = sems[:n_ch]
    scatter_sem = sems[n_ch]
    wid = lax.axis_index("s") * num_cores + lax.axis_index("c")
    base = wid * n_per_w
    ob = base // seq_len
    os0 = base % seq_len
    pltpu.sync_copy(idx_hbm.at[wid], idx_v)
    gathers = [
        pltpu.async_copy(
            table_hbm.at[idx_v.at[j]],
            rows_v.at[pl.ds(j * _CHUNK, _CHUNK)],
            gather_sems[j],
        )
        for j in range(n_ch)
    ]
    scatters = []
    for j in range(n_ch):
        gathers[j].wait()

        @plsc.parallel_loop(j * _CHUNK, (j + 1) * _CHUNK, 1, unroll=2)
        def scale_row(i):
            for c in range(d_model // _LANES):
                sl = pl.ds(c * _LANES, _LANES)
                rows_v[i, sl] = rows_v[i, sl] * scale

        scatters.append(
            pltpu.async_copy(
                rows_v.at[pl.ds(j * _CHUNK, _CHUNK)],
                out_hbm.at[ob, pl.ds(os0 + j * _CHUNK, _CHUNK)],
                scatter_sem,
            )
        )
    for s in scatters:
        s.wait()


def kernel(indices, table):
    B, S = indices.shape
    V, D = table.shape
    N = B * S
    info = plsc.get_sparse_core_info()
    num_workers = info.num_cores * info.num_subcores
    n_per_w = N // num_workers
    n_ch = n_per_w // _CHUNK
    scale = jnp.float32(math.sqrt(float(D)))

    idx3 = indices.reshape(num_workers, n_ch, _CHUNK).astype(jnp.int32)
    mesh = plsc.VectorSubcoreMesh(core_axis_name="c", subcore_axis_name="s")

    k = functools.partial(
        pl.kernel,
        mesh=mesh,
        out_type=jax.ShapeDtypeStruct((B, S, D), jnp.float32),
        scratch_types=(
            [
                pltpu.VMEM((n_ch, _CHUNK), jnp.int32),
                pltpu.VMEM((n_per_w, D), jnp.float32),
            ]
            + [pltpu.SemaphoreType.DMA] * (n_ch + 1)
        ),
    )(functools.partial(_emb_kernel_body, n_per_w, n_ch, info.num_cores,
                        scale, D, S))

    return k(idx3, table)

# --- scband reference (transcript-rebuilt; emitter-appended) ---
"""Pipeline reference for scband-input-embeddings-17798344474624 (READ-ONLY COPY).

The authoritative reference and input builder live on the scoring server;
editing this copy changes nothing except your own understanding.
"""

import jax, jax.numpy as jnp
import numpy as np

D_MODEL = 128
VOCAB_SIZE = 1000000
BATCH = 4
SEQ_LEN = 2048


def setup_inputs(seed: int = 0) -> dict:
    key = jax.random.key(seed)
    k_idx, k_tab = jax.random.split(key)
    indices = jax.random.randint(k_idx, (BATCH, SEQ_LEN), 0, VOCAB_SIZE, dtype=jnp.int64 if jax.config.jax_enable_x64 else jnp.int32)
    table = jax.random.normal(k_tab, (VOCAB_SIZE, D_MODEL), dtype=jnp.float32)
    return {"indices": indices, "table": table}


def reference(indices, table):
    # InputEmbeddings.forward: embedding(x) * sqrt(d_model)
    emb = jnp.take(table, indices, axis=0)
    return emb * jnp.sqrt(jnp.float32(D_MODEL))

if __name__ == "__main__":
    import jax
    _d = setup_inputs()
    print(jax.jit(kernel)(*tuple(_d.values())))

</pallas_src>

<mosaic_0001>
#map = affine_map<(d0, d1) -> (0, 0, 0)>
#map1 = affine_map<(d0, d1) -> (0, 0)>
#map2 = affine_map<(d0, d1) -> (0)>
module attributes {stable_mosaic.version = 14 : i64} {
  func.func @_rewritten_body(%arg0: i32, %arg1: i32, %arg2: memref<32x4x64xi32, #tpu.memory_space<hbm>>, %arg3: memref<1000000x128xf32, #tpu.memory_space<hbm>>, %arg4: memref<1xf32, #tpu.memory_space<hbm>>, %arg5: memref<4x2048x128xf32, #tpu.memory_space<hbm>>, %arg6: memref<4x64xi32, #tpu.memory_space<vmem>>, %arg7: memref<256x128xf32, #tpu.memory_space<vmem>>, %arg8: memref<!tpu.dma_semaphore, #tpu.memory_space<semaphore_mem>>, %arg9: memref<!tpu.dma_semaphore, #tpu.memory_space<semaphore_mem>>, %arg10: memref<!tpu.dma_semaphore, #tpu.memory_space<semaphore_mem>>, %arg11: memref<!tpu.dma_semaphore, #tpu.memory_space<semaphore_mem>>, %arg12: memref<!tpu.dma_semaphore, #tpu.memory_space<semaphore_mem>>) attributes {dimension_semantics = [#tpu.dimension_semantics<core_parallel>, #tpu.dimension_semantics<subcore_parallel>], iteration_bounds = array<i64: 2, 16>, scalar_prefetch = 0 : i64, scratch_operands = 7 : i64, tpu.core_type = #tpu.core_type<sc_vector_subcore>, window_params = [{transform_indices = #map}, {transform_indices = #map1}, {transform_indices = #map2}, {transform_indices = #map}]} {
    %empty_ref3A = memref.alloca() : memref<16xf32, #tpu.memory_space<vmem>>
    "tpu.region"() ({
      %run_scoped3A = tpu.sem_alloc : memref<!tpu.dma_semaphore, #tpu.memory_space<semaphore_mem>>
      %dma_start3A_228 = arith.constant 0 : i32
      %dma_start3A_229 = tpu.memref_slice %empty_ref3A[%dma_start3A_228] : memref<16xf32, #tpu.memory_space<vmem>> -> memref<1xf32, #tpu.memory_space<vmem>>
      %dma_start3A_230 = arith.constant 0 : i32
      %dma_start3A_231 = tpu.memref_slice %empty_ref3A[%dma_start3A_230] : memref<16xf32, #tpu.memory_space<vmem>> -> memref<1xf32, #tpu.memory_space<vmem>>
      tpu.enqueue_dma source(%arg4 : memref<1xf32, #tpu.memory_space<hbm>>) target(%dma_start3A_231 : memref<1xf32, #tpu.memory_space<vmem>>) target_semaphore(%run_scoped3A : memref<!tpu.dma_semaphore, #tpu.memory_space<semaphore_mem>>)
      %dma_wait3A_232 = arith.constant 0 : i32
      %dma_wait3A_233 = tpu.memref_slice %empty_ref3A[%dma_wait3A_232] : memref<16xf32, #tpu.memory_space<vmem>> -> memref<1xf32, #tpu.memory_space<vmem>>
      %dma_wait3A_234 = arith.constant 0 : i32
      %dma_wait3A_235 = tpu.memref_slice %empty_ref3A[%dma_wait3A_234] : memref<16xf32, #tpu.memory_space<vmem>> -> memref<1xf32, #tpu.memory_space<vmem>>
      tpu.wait_dma2 semaphore(%run_scoped3A : memref<!tpu.dma_semaphore, #tpu.memory_space<semaphore_mem>>) src(%arg4 : memref<1xf32, #tpu.memory_space<hbm>>) dst(%dma_wait3A_235 : memref<1xf32, #tpu.memory_space<vmem>>)
      tpu.yield
    }) : () -> ()
    %get3A = arith.constant 0 : index
    %get3A_0 = tpu.vector_load %empty_ref3A[%get3A] {strides = array<i32>} : memref<16xf32, #tpu.memory_space<vmem>>, vector<16xf32>,
    %get3A_1 = vector.shape_cast %get3A_0 : vector<16xf32> to vector<16xf32>
    %slice3A = vector.extract_strided_slice %get3A_1 {offsets = [0], sizes = [1], strides = [1]} : vector<16xf32> to vector<1xf32>
    %squeeze3A = vector.extract %slice3A[0] : f32 from vector<1xf32>
    %mul3A = arith.constant 2 : i32
    %mul3A_2 = arith.muli %arg1, %mul3A : i32
    %add3A = arith.addi %mul3A_2, %arg0 : i32
    %mul3A_3 = arith.constant 256 : i32
    %mul3A_4 = arith.muli %add3A, %mul3A_3 : i32
    %jit3A = arith.constant 2048 : i32
    %div3A = arith.divsi %mul3A_4, %jit3A : i32
    %sign3A = arith.constant 0 : i32
    %sign3A_5 = arith.cmpi sgt, %mul3A_4, %sign3A : i32
    %sign3A_6 = arith.extui %sign3A_5 : i1 to i32
    %sign3A_7 = arith.constant 0 : i32
    %sign3A_8 = arith.cmpi slt, %mul3A_4, %sign3A_7 : i32
    %sign3A_9 = arith.extui %sign3A_8 : i1 to i32
    %sign3A_10 = arith.subi %sign3A_6, %sign3A_9 : i32
    %sign3A_11 = arith.constant 0 : i32
    %sign3A_12 = arith.cmpi sgt, %jit3A, %sign3A_11 : i32
    %sign3A_13 = arith.extui %sign3A_12 : i1 to i32
    %sign3A_14 = arith.constant 0 : i32
    %sign3A_15 = arith.cmpi slt, %jit3A, %sign3A_14 : i32
    %sign3A_16 = arith.extui %sign3A_15 : i1 to i32
    %sign3A_17 = arith.subi %sign3A_13, %sign3A_16 : i32
    %ne3A = arith.cmpi ne, %sign3A_10, %sign3A_17 : i32
    %rem3A = arith.remsi %mul3A_4, %jit3A : i32
    %ne3A_18 = arith.constant 0 : i32
    %ne3A_19 = arith.cmpi ne, %rem3A, %ne3A_18 : i32
    %and3A = arith.andi %ne3A, %ne3A_19 : i1
    %sub3A = arith.constant 1 : i32
    %sub3A_20 = arith.subi %div3A, %sub3A : i32
    %select_n3A = arith.select %and3A, %sub3A_20, %div3A : i32
    %jit3A_21 = arith.constant 2048 : i32
    %eq3A = arith.constant 0 : i32
    %eq3A_22 = arith.cmpi eq, %jit3A_21, %eq3A : i32
    %jit3A_23 = arith.constant 1 : i32
    %select_n3A_24 = arith.select %eq3A_22, %jit3A_23, %jit3A_21 : i32
    %rem3A_25 = arith.remsi %mul3A_4, %select_n3A_24 : i32
    %ne3A_26 = arith.constant 0 : i32
    %ne3A_27 = arith.cmpi ne, %rem3A_25, %ne3A_26 : i32
    %lt3A = arith.constant 0 : i32
    %lt3A_28 = arith.cmpi slt, %rem3A_25, %lt3A : i32
    %lt3A_29 = arith.constant 0 : i32
    %lt3A_30 = arith.cmpi slt, %select_n3A_24, %lt3A_29 : i32
    %ne3A_31 = arith.xori %lt3A_28, %lt3A_30 : i1
    %and3A_32 = arith.andi %ne3A_31, %ne3A_27 : i1
    %add3A_33 = arith.addi %rem3A_25, %select_n3A_24 : i32
    %select_n3A_34 = arith.select %and3A_32, %add3A_33, %rem3A_25 : i32
    "tpu.region"() ({
      %run_scoped3A = tpu.sem_alloc : memref<!tpu.dma_semaphore, #tpu.memory_space<semaphore_mem>>
      %dma_start3A_228 = arith.constant 0 : i32
      %dma_start3A_229 = arith.constant 0 : i32
      %dma_start3A_230 = tpu.memref_slice %arg2[%add3A, %dma_start3A_228, %dma_start3A_229] : memref<32x4x64xi32, #tpu.memory_space<hbm>> -> memref<1x4x64xi32, #tpu.memory_space<hbm>>
      %dma_start3A_231 = tpu.memref_squeeze %dma_start3A_230 : memref<1x4x64xi32, #tpu.memory_space<hbm>> -> memref<4x64xi32, #tpu.memory_space<hbm>>
      %dma_start3A_232 = arith.constant 0 : i32
      %dma_start3A_233 = arith.constant 0 : i32
      %dma_start3A_234 = tpu.memref_slice %arg2[%add3A, %dma_start3A_232, %dma_start3A_233] : memref<32x4x64xi32, #tpu.memory_space<hbm>> -> memref<1x4x64xi32, #tpu.memory_space<hbm>>
      %dma_start3A_235 = tpu.memref_squeeze %dma_start3A_234 : memref<1x4x64xi32, #tpu.memory_space<hbm>> -> memref<4x64xi32, #tpu.memory_space<hbm>>
      tpu.enqueue_dma source(%dma_start3A_235 : memref<4x64xi32, #tpu.memory_space<hbm>>) target(%arg6 : memref<4x64xi32, #tpu.memory_space<vmem>>) target_semaphore(%run_scoped3A : memref<!tpu.dma_semaphore, #tpu.memory_space<semaphore_mem>>)
      %dma_wait3A_236 = arith.constant 0 : i32
      %dma_wait3A_237 = arith.constant 0 : i32
      %dma_wait3A_238 = tpu.memref_slice %arg2[%add3A, %dma_wait3A_236, %dma_wait3A_237] : memref<32x4x64xi32, #tpu.memory_space<hbm>> -> memref<1x4x64xi32, #tpu.memory_space<hbm>>
      %dma_wait3A_239 = tpu.memref_squeeze %dma_wait3A_238 : memref<1x4x64xi32, #tpu.memory_space<hbm>> -> memref<4x64xi32, #tpu.memory_space<hbm>>
      %dma_wait3A_240 = arith.constant 0 : i32
      %dma_wait3A_241 = arith.constant 0 : i32
      %dma_wait3A_242 = tpu.memref_slice %arg2[%add3A, %dma_wait3A_240, %dma_wait3A_241] : memref<32x4x64xi32, #tpu.memory_space<hbm>> -> memref<1x4x64xi32, #tpu.memory_space<hbm>>
      %dma_wait3A_243 = tpu.memref_squeeze %dma_wait3A_242 : memref<1x4x64xi32, #tpu.memory_space<hbm>> -> memref<4x64xi32, #tpu.memory_space<hbm>>
      tpu.wait_dma2 semaphore(%run_scoped3A : memref<!tpu.dma_semaphore, #tpu.memory_space<semaphore_mem>>) src(%dma_wait3A_243 : memref<4x64xi32, #tpu.memory_space<hbm>>) dst(%arg6 : memref<4x64xi32, #tpu.memory_space<vmem>>)
      tpu.yield
    }) : () -> ()
    %dma_start3A = arith.constant 0 : i32
    %dma_start3A_35 = arith.constant 0 : i32
    %dma_start3A_36 = arith.constant 0 : i32
    %dma_start3A_37 = tpu.memref_slice %arg7[%dma_start3A_35, %dma_start3A_36] : memref<256x128xf32, #tpu.memory_space<vmem>> -> memref<64x128xf32, #tpu.memory_space<vmem>>
    %dma_start3A_38 = arith.constant 0 : i32
    %dma_start3A_39 = tpu.memref_slice %arg6[%dma_start3A, %dma_start3A_38] : memref<4x64xi32, #tpu.memory_space<vmem>> -> memref<1x64xi32, #tpu.memory_space<vmem>>
    %dma_start3A_40 = tpu.memref_squeeze %dma_start3A_39 : memref<1x64xi32, #tpu.memory_space<vmem>> -> memref<64xi32, #tpu.memory_space<vmem>>
    %dma_start3A_41 = arith.constant 0 : i32
    %dma_start3A_42 = arith.constant 0 : i32
    %dma_start3A_43 = tpu.memref_slice %arg3[%dma_start3A_41, %dma_start3A_42] : memref<1000000x128xf32, #tpu.memory_space<hbm>> -> memref<1000000x128xf32, #tpu.memory_space<hbm>>
    tpu.enqueue_indirect_dma source(%dma_start3A_43 : memref<1000000x128xf32, #tpu.memory_space<hbm>>) target(%dma_start3A_37 : memref<64x128xf32, #tpu.memory_space<vmem>>) offsets(%dma_start3A_40 : memref<64xi32, #tpu.memory_space<vmem>>) semaphore(%arg8 : memref<!tpu.dma_semaphore, #tpu.memory_space<semaphore_mem>>)
    %dma_start3A_44 = arith.constant 1 : i32
    %dma_start3A_45 = arith.constant 64 : i32
    %dma_start3A_46 = arith.constant 0 : i32
    %dma_start3A_47 = tpu.memref_slice %arg7[%dma_start3A_45, %dma_start3A_46] : memref<256x128xf32, #tpu.memory_space<vmem>> -> memref<64x128xf32, #tpu.memory_space<vmem>>
    %dma_start3A_48 = arith.constant 0 : i32
    %dma_start3A_49 = tpu.memref_slice %arg6[%dma_start3A_44, %dma_start3A_48] : memref<4x64xi32, #tpu.memory_space<vmem>> -> memref<1x64xi32, #tpu.memory_space<vmem>>
    %dma_start3A_50 = tpu.memref_squeeze %dma_start3A_49 : memref<1x64xi32, #tpu.memory_space<vmem>> -> memref<64xi32, #tpu.memory_space<vmem>>
    %dma_start3A_51 = arith.constant 0 : i32
    %dma_start3A_52 = arith.constant 0 : i32
    %dma_start3A_53 = tpu.memref_slice %arg3[%dma_start3A_51, %dma_start3A_52] : memref<1000000x128xf32, #tpu.memory_space<hbm>> -> memref<1000000x128xf32, #tpu.memory_space<hbm>>
    tpu.enqueue_indirect_dma source(%dma_start3A_53 : memref<1000000x128xf32, #tpu.memory_space<hbm>>) target(%dma_start3A_47 : memref<64x128xf32, #tpu.memory_space<vmem>>) offsets(%dma_start3A_50 : memref<64xi32, #tpu.memory_space<vmem>>) semaphore(%arg9 : memref<!tpu.dma_semaphore, #tpu.memory_space<semaphore_mem>>)
    %dma_start3A_54 = arith.constant 2 : i32
    %dma_start3A_55 = arith.constant 128 : i32
    %dma_start3A_56 = arith.constant 0 : i32
    %dma_start3A_57 = tpu.memref_slice %arg7[%dma_start3A_55, %dma_start3A_56] : memref<256x128xf32, #tpu.memory_space<vmem>> -> memref<64x128xf32, #tpu.memory_space<vmem>>
    %dma_start3A_58 = arith.constant 0 : i32
    %dma_start3A_59 = tpu.memref_slice %arg6[%dma_start3A_54, %dma_start3A_58] : memref<4x64xi32, #tpu.memory_space<vmem>> -> memref<1x64xi32, #tpu.memory_space<vmem>>
    %dma_start3A_60 = tpu.memref_squeeze %dma_start3A_59 : memref<1x64xi32, #tpu.memory_space<vmem>> -> memref<64xi32, #tpu.memory_space<vmem>>
    %dma_start3A_61 = arith.constant 0 : i32
    %dma_start3A_62 = arith.constant 0 : i32
    %dma_start3A_63 = tpu.memref_slice %arg3[%dma_start3A_61, %dma_start3A_62] : memref<1000000x128xf32, #tpu.memory_space<hbm>> -> memref<1000000x128xf32, #tpu.memory_space<hbm>>
    tpu.enqueue_indirect_dma source(%dma_start3A_63 : memref<1000000x128xf32, #tpu.memory_space<hbm>>) target(%dma_start3A_57 : memref<64x128xf32, #tpu.memory_space<vmem>>) offsets(%dma_start3A_60 : memref<64xi32, #tpu.memory_space<vmem>>) semaphore(%arg10 : memref<!tpu.dma_semaphore, #tpu.memory_space<semaphore_mem>>)
    %dma_start3A_64 = arith.constant 3 : i32
    %dma_start3A_65 = arith.constant 192 : i32
    %dma_start3A_66 = arith.constant 0 : i32
    %dma_start3A_67 = tpu.memref_slice %arg7[%dma_start3A_65, %dma_start3A_66] : memref<256x128xf32, #tpu.memory_space<vmem>> -> memref<64x128xf32, #tpu.memory_space<vmem>>
    %dma_start3A_68 = arith.constant 0 : i32
    %dma_start3A_69 = tpu.memref_slice %arg6[%dma_start3A_64, %dma_start3A_68] : memref<4x64xi32, #tpu.memory_space<vmem>> -> memref<1x64xi32, #tpu.memory_space<vmem>>
    %dma_start3A_70 = tpu.memref_squeeze %dma_start3A_69 : memref<1x64xi32, #tpu.memory_space<vmem>> -> memref<64xi32, #tpu.memory_space<vmem>>
    %dma_start3A_71 = arith.constant 0 : i32
    %dma_start3A_72 = arith.constant 0 : i32
    %dma_start3A_73 = tpu.memref_slice %arg3[%dma_start3A_71, %dma_start3A_72] : memref<1000000x128xf32, #tpu.memory_space<hbm>> -> memref<1000000x128xf32, #tpu.memory_space<hbm>>
    tpu.enqueue_indirect_dma source(%dma_start3A_73 : memref<1000000x128xf32, #tpu.memory_space<hbm>>) target(%dma_start3A_67 : memref<64x128xf32, #tpu.memory_space<vmem>>) offsets(%dma_start3A_70 : memref<64xi32, #tpu.memory_space<vmem>>) semaphore(%arg11 : memref<!tpu.dma_semaphore, #tpu.memory_space<semaphore_mem>>)
    %dma_wait3A = arith.constant 0 : i32
    %dma_wait3A_74 = arith.constant 0 : i32
    %dma_wait3A_75 = arith.constant 0 : i32
    %dma_wait3A_76 = tpu.memref_slice %arg7[%dma_wait3A_74, %dma_wait3A_75] : memref<256x128xf32, #tpu.memory_space<vmem>> -> memref<64x128xf32, #tpu.memory_space<vmem>>
    %dma_wait3A_77 = arith.constant 0 : i32
    %dma_wait3A_78 = tpu.memref_slice %arg6[%dma_wait3A, %dma_wait3A_77] : memref<4x64xi32, #tpu.memory_space<vmem>> -> memref<1x64xi32, #tpu.memory_space<vmem>>
    %dma_wait3A_79 = tpu.memref_squeeze %dma_wait3A_78 : memref<1x64xi32, #tpu.memory_space<vmem>> -> memref<64xi32, #tpu.memory_space<vmem>>
    %dma_wait3A_80 = arith.constant 0 : i32
    %dma_wait3A_81 = arith.constant 0 : i32
    %dma_wait3A_82 = tpu.memref_slice %arg3[%dma_wait3A_80, %dma_wait3A_81] : memref<1000000x128xf32, #tpu.memory_space<hbm>> -> memref<1000000x128xf32, #tpu.memory_space<hbm>>
    tpu.wait_indirect_dma semaphore(%arg8 : memref<!tpu.dma_semaphore, #tpu.memory_space<semaphore_mem>>) src(%dma_wait3A_82 : memref<1000000x128xf32, #tpu.memory_space<hbm>>) dst(%dma_wait3A_76 : memref<64x128xf32, #tpu.memory_space<vmem>>)
    %parallel_loop3A = arith.constant 0 : i32
    %parallel_loop3A_83 = arith.constant 64 : i32
    %parallel_loop3A_84 = arith.constant 1 : i32
    scf.for %parallel_loop3A_228 = %parallel_loop3A to %parallel_loop3A_83 step %parallel_loop3A_84  : i32 {
      %parallel_loop3A_229 = arith.index_cast %parallel_loop3A_228 : i32 to index
      %parallel_loop3A_230 = arith.constant 0 : index
      %parallel_loop3A_231 = tpu.vector_load %arg7[%parallel_loop3A_229, %parallel_loop3A_230] {strides = array<i32>} : memref<256x128xf32, #tpu.memory_space<vmem>>, vector<1x16xf32>,
      %parallel_loop3A_232 = vector.shape_cast %parallel_loop3A_231 : vector<1x16xf32> to vector<16xf32>
      %parallel_loop3A_233 = vector.broadcast %squeeze3A : f32 to vector<16xf32>
      %parallel_loop3A_234 = arith.mulf %parallel_loop3A_232, %parallel_loop3A_233 : vector<16xf32>
      %parallel_loop3A_235 = arith.index_cast %parallel_loop3A_228 : i32 to index
      %parallel_loop3A_236 = arith.constant 0 : index
      %parallel_loop3A_237 = tpu.vector_load %arg7[%parallel_loop3A_235, %parallel_loop3A_236] {strides = array<i32>} : memref<256x128xf32, #tpu.memory_space<vmem>>, vector<1x16xf32>,
      %parallel_loop3A_238 = vector.shape_cast %parallel_loop3A_237 : vector<1x16xf32> to vector<16xf32>
      %parallel_loop3A_239 = vector.shape_cast %parallel_loop3A_234 : vector<16xf32> to vector<1x16xf32>
      tpu.vector_store %arg7[%parallel_loop3A_235, %parallel_loop3A_236], %parallel_loop3A_239 {strides = array<i32>} : memref<256x128xf32, #tpu.memory_space<vmem>>, vector<1x16xf32>,
      %parallel_loop3A_240 = arith.index_cast %parallel_loop3A_228 : i32 to index
      %parallel_loop3A_241 = arith.constant 16 : index
      %parallel_loop3A_242 = tpu.vector_load %arg7[%parallel_loop3A_240, %parallel_loop3A_241] {strides = array<i32>} : memref<256x128xf32, #tpu.memory_space<vmem>>, vector<1x16xf32>,
      %parallel_loop3A_243 = vector.shape_cast %parallel_loop3A_242 : vector<1x16xf32> to vector<16xf32>
      %parallel_loop3A_244 = vector.broadcast %squeeze3A : f32 to vector<16xf32>
      %parallel_loop3A_245 = arith.mulf %parallel_loop3A_243, %parallel_loop3A_244 : vector<16xf32>
      %parallel_loop3A_246 = arith.index_cast %parallel_loop3A_228 : i32 to index
      %parallel_loop3A_247 = arith.constant 16 : index
      %parallel_loop3A_248 = tpu.vector_load %arg7[%parallel_loop3A_246, %parallel_loop3A_247] {strides = array<i32>} : memref<256x128xf32, #tpu.memory_space<vmem>>, vector<1x16xf32>,
      %parallel_loop3A_249 = vector.shape_cast %parallel_loop3A_248 : vector<1x16xf32> to vector<16xf32>
      %parallel_loop3A_250 = vector.shape_cast %parallel_loop3A_245 : vector<16xf32> to vector<1x16xf32>
      tpu.vector_store %arg7[%parallel_loop3A_246, %parallel_loop3A_247], %parallel_loop3A_250 {strides = array<i32>} : memref<256x128xf32, #tpu.memory_space<vmem>>, vector<1x16xf32>,
      %parallel_loop3A_251 = arith.index_cast %parallel_loop3A_228 : i32 to index
      %parallel_loop3A_252 = arith.constant 32 : index
      %parallel_loop3A_253 = tpu.vector_load %arg7[%parallel_loop3A_251, %parallel_loop3A_252] {strides = array<i32>} : memref<256x128xf32, #tpu.memory_space<vmem>>, vector<1x16xf32>,
      %parallel_loop3A_254 = vector.shape_cast %parallel_loop3A_253 : vector<1x16xf32> to vector<16xf32>
      %parallel_loop3A_255 = vector.broadcast %squeeze3A : f32 to vector<16xf32>
      %parallel_loop3A_256 = arith.mulf %parallel_loop3A_254, %parallel_loop3A_255 : vector<16xf32>
      %parallel_loop3A_257 = arith.index_cast %parallel_loop3A_228 : i32 to index
      %parallel_loop3A_258 = arith.constant 32 : index
      %parallel_loop3A_259 = tpu.vector_load %arg7[%parallel_loop3A_257, %parallel_loop3A_258] {strides = array<i32>} : memref<256x128xf32, #tpu.memory_space<vmem>>, vector<1x16xf32>,
      %parallel_loop3A_260 = vector.shape_cast %parallel_loop3A_259 : vector<1x16xf32> to vector<16xf32>
      %parallel_loop3A_261 = vector.shape_cast %parallel_loop3A_256 : vector<16xf32> to vector<1x16xf32>
      tpu.vector_store %arg7[%parallel_loop3A_257, %parallel_loop3A_258], %parallel_loop3A_261 {strides = array<i32>} : memref<256x128xf32, #tpu.memory_space<vmem>>, vector<1x16xf32>,
      %parallel_loop3A_262 = arith.index_cast %parallel_loop3A_228 : i32 to index
      %parallel_loop3A_263 = arith.constant 48 : index
      %parallel_loop3A_264 = tpu.vector_load %arg7[%parallel_loop3A_262, %parallel_loop3A_263] {strides = array<i32>} : memref<256x128xf32, #tpu.memory_space<vmem>>, vector<1x16xf32>,
      %parallel_loop3A_265 = vector.shape_cast %parallel_loop3A_264 : vector<1x16xf32> to vector<16xf32>
      %parallel_loop3A_266 = vector.broadcast %squeeze3A : f32 to vector<16xf32>
      %parallel_loop3A_267 = arith.mulf %parallel_loop3A_265, %parallel_loop3A_266 : vector<16xf32>
      %parallel_loop3A_268 = arith.index_cast %parallel_loop3A_228 : i32 to index
      %parallel_loop3A_269 = arith.constant 48 : index
      %parallel_loop3A_270 = tpu.vector_load %arg7[%parallel_loop3A_268, %parallel_loop3A_269] {strides = array<i32>} : memref<256x128xf32, #tpu.memory_space<vmem>>, vector<1x16xf32>,
      %parallel_loop3A_271 = vector.shape_cast %parallel_loop3A_270 : vector<1x16xf32> to vector<16xf32>
      %parallel_loop3A_272 = vector.shape_cast %parallel_loop3A_267 : vector<16xf32> to vector<1x16xf32>
      tpu.vector_store %arg7[%parallel_loop3A_268, %parallel_loop3A_269], %parallel_loop3A_272 {strides = array<i32>} : memref<256x128xf32, #tpu.memory_space<vmem>>, vector<1x16xf32>,
      %parallel_loop3A_273 = arith.index_cast %parallel_loop3A_228 : i32 to index
      %parallel_loop3A_274 = arith.constant 64 : index
      %parallel_loop3A_275 = tpu.vector_load %arg7[%parallel_loop3A_273, %parallel_loop3A_274] {strides = array<i32>} : memref<256x128xf32, #tpu.memory_space<vmem>>, vector<1x16xf32>,
      %parallel_loop3A_276 = vector.shape_cast %parallel_loop3A_275 : vector<1x16xf32> to vector<16xf32>
      %parallel_loop3A_277 = vector.broadcast %squeeze3A : f32 to vector<16xf32>
      %parallel_loop3A_278 = arith.mulf %parallel_loop3A_276, %parallel_loop3A_277 : vector<16xf32>
      %parallel_loop3A_279 = arith.index_cast %parallel_loop3A_228 : i32 to index
      %parallel_loop3A_280 = arith.constant 64 : index
      %parallel_loop3A_281 = tpu.vector_load %arg7[%parallel_loop3A_279, %parallel_loop3A_280] {strides = array<i32>} : memref<256x128xf32, #tpu.memory_space<vmem>>, vector<1x16xf32>,
      %parallel_loop3A_282 = vector.shape_cast %parallel_loop3A_281 : vector<1x16xf32> to vector<16xf32>
      %parallel_loop3A_283 = vector.shape_cast %parallel_loop3A_278 : vector<16xf32> to vector<1x16xf32>
      tpu.vector_store %arg7[%parallel_loop3A_279, %parallel_loop3A_280], %parallel_loop3A_283 {strides = array<i32>} : memref<256x128xf32, #tpu.memory_space<vmem>>, vector<1x16xf32>,
      %parallel_loop3A_284 = arith.index_cast %parallel_loop3A_228 : i32 to index
      %parallel_loop3A_285 = arith.constant 80 : index
      %parallel_loop3A_286 = tpu.vector_load %arg7[%parallel_loop3A_284, %parallel_loop3A_285] {strides = array<i32>} : memref<256x128xf32, #tpu.memory_space<vmem>>, vector<1x16xf32>,
      %parallel_loop3A_287 = vector.shape_cast %parallel_loop3A_286 : vector<1x16xf32> to vector<16xf32>
      %parallel_loop3A_288 = vector.broadcast %squeeze3A : f32 to vector<16xf32>
      %parallel_loop3A_289 = arith.mulf %parallel_loop3A_287, %parallel_loop3A_288 : vector<16xf32>
      %parallel_loop3A_290 = arith.index_cast %parallel_loop3A_228 : i32 to index
      %parallel_loop3A_291 = arith.constant 80 : index
      %parallel_loop3A_292 = tpu.vector_load %arg7[%parallel_loop3A_290, %parallel_loop3A_291] {strides = array<i32>} : memref<256x128xf32, #tpu.memory_space<vmem>>, vector<1x16xf32>,
      %parallel_loop3A_293 = vector.shape_cast %parallel_loop3A_292 : vector<1x16xf32> to vector<16xf32>
      %parallel_loop3A_294 = vector.shape_cast %parallel_loop3A_289 : vector<16xf32> to vector<1x16xf32>
      tpu.vector_store %arg7[%parallel_loop3A_290, %parallel_loop3A_291], %parallel_loop3A_294 {strides = array<i32>} : memref<256x128xf32, #tpu.memory_space<vmem>>, vector<1x16xf32>,
      %parallel_loop3A_295 = arith.index_cast %parallel_loop3A_228 : i32 to index
      %parallel_loop3A_296 = arith.constant 96 : index
      %parallel_loop3A_297 = tpu.vector_load %arg7[%parallel_loop3A_295, %parallel_loop3A_296] {strides = array<i32>} : memref<256x128xf32, #tpu.memory_space<vmem>>, vector<1x16xf32>,
      %parallel_loop3A_298 = vector.shape_cast %parallel_loop3A_297 : vector<1x16xf32> to vector<16xf32>
      %parallel_loop3A_299 = vector.broadcast %squeeze3A : f32 to vector<16xf32>
      %parallel_loop3A_300 = arith.mulf %parallel_loop3A_298, %parallel_loop3A_299 : vector<16xf32>
      %parallel_loop3A_301 = arith.index_cast %parallel_loop3A_228 : i32 to index
      %parallel_loop3A_302 = arith.constant 96 : index
      %parallel_loop3A_303 = tpu.vector_load %arg7[%parallel_loop3A_301, %parallel_loop3A_302] {strides = array<i32>} : memref<256x128xf32, #tpu.memory_space<vmem>>, vector<1x16xf32>,
      %parallel_loop3A_304 = vector.shape_cast %parallel_loop3A_303 : vector<1x16xf32> to vector<16xf32>
      %parallel_loop3A_305 = vector.shape_cast %parallel_loop3A_300 : vector<16xf32> to vector<1x16xf32>
      tpu.vector_store %arg7[%parallel_loop3A_301, %parallel_loop3A_302], %parallel_loop3A_305 {strides = array<i32>} : memref<256x128xf32, #tpu.memory_space<vmem>>, vector<1x16xf32>,
      %parallel_loop3A_306 = arith.index_cast %parallel_loop3A_228 : i32 to index
      %parallel_loop3A_307 = arith.constant 112 : index
      %parallel_loop3A_308 = tpu.vector_load %arg7[%parallel_loop3A_306, %parallel_loop3A_307] {strides = array<i32>} : memref<256x128xf32, #tpu.memory_space<vmem>>, vector<1x16xf32>,
      %parallel_loop3A_309 = vector.shape_cast %parallel_loop3A_308 : vector<1x16xf32> to vector<16xf32>
      %parallel_loop3A_310 = vector.broadcast %squeeze3A : f32 to vector<16xf32>
      %parallel_loop3A_311 = arith.mulf %parallel_loop3A_309, %parallel_loop3A_310 : vector<16xf32>
      %parallel_loop3A_312 = arith.index_cast %parallel_loop3A_228 : i32 to index
      %parallel_loop3A_313 = arith.constant 112 : index
      %parallel_loop3A_314 = tpu.vector_load %arg7[%parallel_loop3A_312, %parallel_loop3A_313] {strides = array<i32>} : memref<256x128xf32, #tpu.memory_space<vmem>>, vector<1x16xf32>,
      %parallel_loop3A_315 = vector.shape_cast %parallel_loop3A_314 : vector<1x16xf32> to vector<16xf32>
      %parallel_loop3A_316 = vector.shape_cast %parallel_loop3A_311 : vector<16xf32> to vector<1x16xf32>
      tpu.vector_store %arg7[%parallel_loop3A_312, %parallel_loop3A_313], %parallel_loop3A_316 {strides = array<i32>} : memref<256x128xf32, #tpu.memory_space<vmem>>, vector<1x16xf32>,
    } {sc.loop_unroll_factor = 2 : i64, sc.parallel_access}
    %add3A_85 = arith.constant 0 : i32
    %add3A_86 = arith.addi %select_n3A_34, %add3A_85 : i32
    %dma_start3A_87 = arith.constant 0 : i32
    %dma_start3A_88 = arith.constant 0 : i32
    %dma_start3A_89 = tpu.memref_slice %arg7[%dma_start3A_87, %dma_start3A_88] : memref<256x128xf32, #tpu.memory_space<vmem>> -> memref<64x128xf32, #tpu.memory_space<vmem>>
    %dma_start3A_90 = arith.constant 0 : i32
    %dma_start3A_91 = tpu.memref_slice %arg5[%select_n3A, %add3A_86, %dma_start3A_90] : memref<4x2048x128xf32, #tpu.memory_space<hbm>> -> memref<1x64x128xf32, #tpu.memory_space<hbm>>
    %dma_start3A_92 = tpu.memref_squeeze %dma_start3A_91 : memref<1x64x128xf32, #tpu.memory_space<hbm>> -> memref<64x128xf32, #tpu.memory_space<hbm>>
    %dma_start3A_93 = arith.constant 0 : i32
    %dma_start3A_94 = tpu.memref_slice %arg5[%select_n3A, %add3A_86, %dma_start3A_93] : memref<4x2048x128xf32, #tpu.memory_space<hbm>> -> memref<1x64x128xf32, #tpu.memory_space<hbm>>
    %dma_start3A_95 = tpu.memref_squeeze %dma_start3A_94 : memref<1x64x128xf32, #tpu.memory_space<hbm>> -> memref<64x128xf32, #tpu.memory_space<hbm>>
    %dma_start3A_96 = arith.constant 0 : i32
    %dma_start3A_97 = arith.constant 0 : i32
    %dma_start3A_98 = tpu.memref_slice %arg7[%dma_start3A_96, %dma_start3A_97] : memref<256x128xf32, #tpu.memory_space<vmem>> -> memref<64x128xf32, #tpu.memory_space<vmem>>
    tpu.enqueue_dma source(%dma_start3A_98 : memref<64x128xf32, #tpu.memory_space<vmem>>) target(%dma_start3A_95 : memref<64x128xf32, #tpu.memory_space<hbm>>) target_semaphore(%arg12 : memref<!tpu.dma_semaphore, #tpu.memory_space<semaphore_mem>>)
    %dma_wait3A_99 = arith.constant 1 : i32
    %dma_wait3A_100 = arith.constant 64 : i32
    %dma_wait3A_101 = arith.constant 0 : i32
    %dma_wait3A_102 = tpu.memref_slice %arg7[%dma_wait3A_100, %dma_wait3A_101] : memref<256x128xf32, #tpu.memory_space<vmem>> -> memref<64x128xf32, #tpu.memory_space<vmem>>
    %dma_wait3A_103 = arith.constant 0 : i32
    %dma_wait3A_104 = tpu.memref_slice %arg6[%dma_wait3A_99, %dma_wait3A_103] : memref<4x64xi32, #tpu.memory_space<vmem>> -> memref<1x64xi32, #tpu.memory_space<vmem>>
    %dma_wait3A_105 = tpu.memref_squeeze %dma_wait3A_104 : memref<1x64xi32, #tpu.memory_space<vmem>> -> memref<64xi32, #tpu.memory_space<vmem>>
    %dma_wait3A_106 = arith.constant 0 : i32
    %dma_wait3A_107 = arith.constant 0 : i32
    %dma_wait3A_108 = tpu.memref_slice %arg3[%dma_wait3A_106, %dma_wait3A_107] : memref<1000000x128xf32, #tpu.memory_space<hbm>> -> memref<1000000x128xf32, #tpu.memory_space<hbm>>
    tpu.wait_indirect_dma semaphore(%arg9 : memref<!tpu.dma_semaphore, #tpu.memory_space<semaphore_mem>>) src(%dma_wait3A_108 : memref<1000000x128xf32, #tpu.memory_space<hbm>>) dst(%dma_wait3A_102 : memref<64x128xf32, #tpu.memory_space<vmem>>)
    %parallel_loop3A_109 = arith.constant 64 : i32
    %parallel_loop3A_110 = arith.constant 128 : i32
    %parallel_loop3A_111 = arith.constant 1 : i32
    scf.for %parallel_loop3A_228 = %parallel_loop3A_109 to %parallel_loop3A_110 step %parallel_loop3A_111  : i32 {
      %parallel_loop3A_229 = arith.index_cast %parallel_loop3A_228 : i32 to index
      %parallel_loop3A_230 = arith.constant 0 : index
      %parallel_loop3A_231 = tpu.vector_load %arg7[%parallel_loop3A_229, %parallel_loop3A_230] {strides = array<i32>} : memref<256x128xf32, #tpu.memory_space<vmem>>, vector<1x16xf32>,
      %parallel_loop3A_232 = vector.shape_cast %parallel_loop3A_231 : vector<1x16xf32> to vector<16xf32>
      %parallel_loop3A_233 = vector.broadcast %squeeze3A : f32 to vector<16xf32>
      %parallel_loop3A_234 = arith.mulf %parallel_loop3A_232, %parallel_loop3A_233 : vector<16xf32>
      %parallel_loop3A_235 = arith.index_cast %parallel_loop3A_228 : i32 to index
      %parallel_loop3A_236 = arith.constant 0 : index
      %parallel_loop3A_237 = tpu.vector_load %arg7[%parallel_loop3A_235, %parallel_loop3A_236] {strides = array<i32>} : memref<256x128xf32, #tpu.memory_space<vmem>>, vector<1x16xf32>,
      %parallel_loop3A_238 = vector.shape_cast %parallel_loop3A_237 : vector<1x16xf32> to vector<16xf32>
      %parallel_loop3A_239 = vector.shape_cast %parallel_loop3A_234 : vector<16xf32> to vector<1x16xf32>
      tpu.vector_store %arg7[%parallel_loop3A_235, %parallel_loop3A_236], %parallel_loop3A_239 {strides = array<i32>} : memref<256x128xf32, #tpu.memory_space<vmem>>, vector<1x16xf32>,
      %parallel_loop3A_240 = arith.index_cast %parallel_loop3A_228 : i32 to index
      %parallel_loop3A_241 = arith.constant 16 : index
      %parallel_loop3A_242 = tpu.vector_load %arg7[%parallel_loop3A_240, %parallel_loop3A_241] {strides = array<i32>} : memref<256x128xf32, #tpu.memory_space<vmem>>, vector<1x16xf32>,
      %parallel_loop3A_243 = vector.shape_cast %parallel_loop3A_242 : vector<1x16xf32> to vector<16xf32>
      %parallel_loop3A_244 = vector.broadcast %squeeze3A : f32 to vector<16xf32>
      %parallel_loop3A_245 = arith.mulf %parallel_loop3A_243, %parallel_loop3A_244 : vector<16xf32>
      %parallel_loop3A_246 = arith.index_cast %parallel_loop3A_228 : i32 to index
      %parallel_loop3A_247 = arith.constant 16 : index
      %parallel_loop3A_248 = tpu.vector_load %arg7[%parallel_loop3A_246, %parallel_loop3A_247] {strides = array<i32>} : memref<256x128xf32, #tpu.memory_space<vmem>>, vector<1x16xf32>,
      %parallel_loop3A_249 = vector.shape_cast %parallel_loop3A_248 : vector<1x16xf32> to vector<16xf32>
      %parallel_loop3A_250 = vector.shape_cast %parallel_loop3A_245 : vector<16xf32> to vector<1x16xf32>
      tpu.vector_store %arg7[%parallel_loop3A_246, %parallel_loop3A_247], %parallel_loop3A_250 {strides = array<i32>} : memref<256x128xf32, #tpu.memory_space<vmem>>, vector<1x16xf32>,
      %parallel_loop3A_251 = arith.index_cast %parallel_loop3A_228 : i32 to index
      %parallel_loop3A_252 = arith.constant 32 : index
      %parallel_loop3A_253 = tpu.vector_load %arg7[%parallel_loop3A_251, %parallel_loop3A_252] {strides = array<i32>} : memref<256x128xf32, #tpu.memory_space<vmem>>, vector<1x16xf32>,
      %parallel_loop3A_254 = vector.shape_cast %parallel_loop3A_253 : vector<1x16xf32> to vector<16xf32>
      %parallel_loop3A_255 = vector.broadcast %squeeze3A : f32 to vector<16xf32>
      %parallel_loop3A_256 = arith.mulf %parallel_loop3A_254, %parallel_loop3A_255 : vector<16xf32>
      %parallel_loop3A_257 = arith.index_cast %parallel_loop3A_228 : i32 to index
      %parallel_loop3A_258 = arith.constant 32 : index
      %parallel_loop3A_259 = tpu.vector_load %arg7[%parallel_loop3A_257, %parallel_loop3A_258] {strides = array<i32>} : memref<256x128xf32, #tpu.memory_space<vmem>>, vector<1x16xf32>,
      %parallel_loop3A_260 = vector.shape_cast %parallel_loop3A_259 : vector<1x16xf32> to vector<16xf32>
      %parallel_loop3A_261 = vector.shape_cast %parallel_loop3A_256 : vector<16xf32> to vector<1x16xf32>
      tpu.vector_store %arg7[%parallel_loop3A_257, %parallel_loop3A_258], %parallel_loop3A_261 {strides = array<i32>} : memref<256x128xf32, #tpu.memory_space<vmem>>, vector<1x16xf32>,
      %parallel_loop3A_262 = arith.index_cast %parallel_loop3A_228 : i32 to index
      %parallel_loop3A_263 = arith.constant 48 : index
      %parallel_loop3A_264 = tpu.vector_load %arg7[%parallel_loop3A_262, %parallel_loop3A_263] {strides = array<i32>} : memref<256x128xf32, #tpu.memory_space<vmem>>, vector<1x16xf32>,
      %parallel_loop3A_265 = vector.shape_cast %parallel_loop3A_264 : vector<1x16xf32> to vector<16xf32>
      %parallel_loop3A_266 = vector.broadcast %squeeze3A : f32 to vector<16xf32>
      %parallel_loop3A_267 = arith.mulf %parallel_loop3A_265, %parallel_loop3A_266 : vector<16xf32>
      %parallel_loop3A_268 = arith.index_cast %parallel_loop3A_228 : i32 to index
      %parallel_loop3A_269 = arith.constant 48 : index
      %parallel_loop3A_270 = tpu.vector_load %arg7[%parallel_loop3A_268, %parallel_loop3A_269] {strides = array<i32>} : memref<256x128xf32, #tpu.memory_space<vmem>>, vector<1x16xf32>,
      %parallel_loop3A_271 = vector.shape_cast %parallel_loop3A_270 : vector<1x16xf32> to vector<16xf32>
      %parallel_loop3A_272 = vector.shape_cast %parallel_loop3A_267 : vector<16xf32> to vector<1x16xf32>
      tpu.vector_store %arg7[%parallel_loop3A_268, %parallel_loop3A_269], %parallel_loop3A_272 {strides = array<i32>} : memref<256x128xf32, #tpu.memory_space<vmem>>, vector<1x16xf32>,
      %parallel_loop3A_273 = arith.index_cast %parallel_loop3A_228 : i32 to index
      %parallel_loop3A_274 = arith.constant 64 : index
      %parallel_loop3A_275 = tpu.vector_load %arg7[%parallel_loop3A_273, %parallel_loop3A_274] {strides = array<i32>} : memref<256x128xf32, #tpu.memory_space<vmem>>, vector<1x16xf32>,
      %parallel_loop3A_276 = vector.shape_cast %parallel_loop3A_275 : vector<1x16xf32> to vector<16xf32>
      %parallel_loop3A_277 = vector.broadcast %squeeze3A : f32 to vector<16xf32>
      %parallel_loop3A_278 = arith.mulf %parallel_loop3A_276, %parallel_loop3A_277 : vector<16xf32>
      %parallel_loop3A_279 = arith.index_cast %parallel_loop3A_228 : i32 to index
      %parallel_loop3A_280 = arith.constant 64 : index
      %parallel_loop3A_281 = tpu.vector_load %arg7[%parallel_loop3A_279, %parallel_loop3A_280] {strides = array<i32>} : memref<256x128xf32, #tpu.memory_space<vmem>>, vector<1x16xf32>,
      %parallel_loop3A_282 = vector.shape_cast %parallel_loop3A_281 : vector<1x16xf32> to vector<16xf32>
      %parallel_loop3A_283 = vector.shape_cast %parallel_loop3A_278 : vector<16xf32> to vector<1x16xf32>
      tpu.vector_store %arg7[%parallel_loop3A_279, %parallel_loop3A_280], %parallel_loop3A_283 {strides = array<i32>} : memref<256x128xf32, #tpu.memory_space<vmem>>, vector<1x16xf32>,
      %parallel_loop3A_284 = arith.index_cast %parallel_loop3A_228 : i32 to index
      %parallel_loop3A_285 = arith.constant 80 : index
      %parallel_loop3A_286 = tpu.vector_load %arg7[%parallel_loop3A_284, %parallel_loop3A_285] {strides = array<i32>} : memref<256x128xf32, #tpu.memory_space<vmem>>, vector<1x16xf32>,
      %parallel_loop3A_287 = vector.shape_cast %parallel_loop3A_286 : vector<1x16xf32> to vector<16xf32>
      %parallel_loop3A_288 = vector.broadcast %squeeze3A : f32 to vector<16xf32>
      %parallel_loop3A_289 = arith.mulf %parallel_loop3A_287, %parallel_loop3A_288 : vector<16xf32>
      %parallel_loop3A_290 = arith.index_cast %parallel_loop3A_228 : i32 to index
      %parallel_loop3A_291 = arith.constant 80 : index
      %parallel_loop3A_292 = tpu.vector_load %arg7[%parallel_loop3A_290, %parallel_loop3A_291] {strides = array<i32>} : memref<256x128xf32, #tpu.memory_space<vmem>>, vector<1x16xf32>,
      %parallel_loop3A_293 = vector.shape_cast %parallel_loop3A_292 : vector<1x16xf32> to vector<16xf32>
      %parallel_loop3A_294 = vector.shape_cast %parallel_loop3A_289 : vector<16xf32> to vector<1x16xf32>
      tpu.vector_store %arg7[%parallel_loop3A_290, %parallel_loop3A_291], %parallel_loop3A_294 {strides = array<i32>} : memref<256x128xf32, #tpu.memory_space<vmem>>, vector<1x16xf32>,
      %parallel_loop3A_295 = arith.index_cast %parallel_loop3A_228 : i32 to index
      %parallel_loop3A_296 = arith.constant 96 : index
      %parallel_loop3A_297 = tpu.vector_load %arg7[%parallel_loop3A_295, %parallel_loop3A_296] {strides = array<i32>} : memref<256x128xf32, #tpu.memory_space<vmem>>, vector<1x16xf32>,
      %parallel_loop3A_298 = vector.shape_cast %parallel_loop3A_297 : vector<1x16xf32> to vector<16xf32>
      %parallel_loop3A_299 = vector.broadcast %squeeze3A : f32 to vector<16xf32>
      %parallel_loop3A_300 = arith.mulf %parallel_loop3A_298, %parallel_loop3A_299 : vector<16xf32>
      %parallel_loop3A_301 = arith.index_cast %parallel_loop3A_228 : i32 to index
      %parallel_loop3A_302 = arith.constant 96 : index
      %parallel_loop3A_303 = tpu.vector_load %arg7[%parallel_loop3A_301, %parallel_loop3A_302] {strides = array<i32>} : memref<256x128xf32, #tpu.memory_space<vmem>>, vector<1x16xf32>,
      %parallel_loop3A_304 = vector.shape_cast %parallel_loop3A_303 : vector<1x16xf32> to vector<16xf32>
      %parallel_loop3A_305 = vector.shape_cast %parallel_loop3A_300 : vector<16xf32> to vector<1x16xf32>
      tpu.vector_store %arg7[%parallel_loop3A_301, %parallel_loop3A_302], %parallel_loop3A_305 {strides = array<i32>} : memref<256x128xf32, #tpu.memory_space<vmem>>, vector<1x16xf32>,
      %parallel_loop3A_306 = arith.index_cast %parallel_loop3A_228 : i32 to index
      %parallel_loop3A_307 = arith.constant 112 : index
      %parallel_loop3A_308 = tpu.vector_load %arg7[%parallel_loop3A_306, %parallel_loop3A_307] {strides = array<i32>} : memref<256x128xf32, #tpu.memory_space<vmem>>, vector<1x16xf32>,
      %parallel_loop3A_309 = vector.shape_cast %parallel_loop3A_308 : vector<1x16xf32> to vector<16xf32>
      %parallel_loop3A_310 = vector.broadcast %squeeze3A : f32 to vector<16xf32>
      %parallel_loop3A_311 = arith.mulf %parallel_loop3A_309, %parallel_loop3A_310 : vector<16xf32>
      %parallel_loop3A_312 = arith.index_cast %parallel_loop3A_228 : i32 to index
      %parallel_loop3A_313 = arith.constant 112 : index
      %parallel_loop3A_314 = tpu.vector_load %arg7[%parallel_loop3A_312, %parallel_loop3A_313] {strides = array<i32>} : memref<256x128xf32, #tpu.memory_space<vmem>>, vector<1x16xf32>,
      %parallel_loop3A_315 = vector.shape_cast %parallel_loop3A_314 : vector<1x16xf32> to vector<16xf32>
      %parallel_loop3A_316 = vector.shape_cast %parallel_loop3A_311 : vector<16xf32> to vector<1x16xf32>
      tpu.vector_store %arg7[%parallel_loop3A_312, %parallel_loop3A_313], %parallel_loop3A_316 {strides = array<i32>} : memref<256x128xf32, #tpu.memory_space<vmem>>, vector<1x16xf32>,
    } {sc.loop_unroll_factor = 2 : i64, sc.parallel_access}
    %add3A_112 = arith.constant 64 : i32
    %add3A_113 = arith.addi %select_n3A_34, %add3A_112 : i32
    %dma_start3A_114 = arith.constant 64 : i32
    %dma_start3A_115 = arith.constant 0 : i32
    %dma_start3A_116 = tpu.memref_slice %arg7[%dma_start3A_114, %dma_start3A_115] : memref<256x128xf32, #tpu.memory_space<vmem>> -> memref<64x128xf32, #tpu.memory_space<vmem>>
    %dma_start3A_117 = arith.constant 0 : i32
    %dma_start3A_118 = tpu.memref_slice %arg5[%select_n3A, %add3A_113, %dma_start3A_117] : memref<4x2048x128xf32, #tpu.memory_space<hbm>> -> memref<1x64x128xf32, #tpu.memory_space<hbm>>
    %dma_start3A_119 = tpu.memref_squeeze %dma_start3A_118 : memref<1x64x128xf32, #tpu.memory_space<hbm>> -> memref<64x128xf32, #tpu.memory_space<hbm>>
    %dma_start3A_120 = arith.constant 0 : i32
    %dma_start3A_121 = tpu.memref_slice %arg5[%select_n3A, %add3A_113, %dma_start3A_120] : memref<4x2048x128xf32, #tpu.memory_space<hbm>> -> memref<1x64x128xf32, #tpu.memory_space<hbm>>
    %dma_start3A_122 = tpu.memref_squeeze %dma_start3A_121 : memref<1x64x128xf32, #tpu.memory_space<hbm>> -> memref<64x128xf32, #tpu.memory_space<hbm>>
    %dma_start3A_123 = arith.constant 64 : i32
    %dma_start3A_124 = arith.constant 0 : i32
    %dma_start3A_125 = tpu.memref_slice %arg7[%dma_start3A_123, %dma_start3A_124] : memref<256x128xf32, #tpu.memory_space<vmem>> -> memref<64x128xf32, #tpu.memory_space<vmem>>
    tpu.enqueue_dma source(%dma_start3A_125 : memref<64x128xf32, #tpu.memory_space<vmem>>) target(%dma_start3A_122 : memref<64x128xf32, #tpu.memory_space<hbm>>) target_semaphore(%arg12 : memref<!tpu.dma_semaphore, #tpu.memory_space<semaphore_mem>>)
    %dma_wait3A_126 = arith.constant 2 : i32
    %dma_wait3A_127 = arith.constant 128 : i32
    %dma_wait3A_128 = arith.constant 0 : i32
    %dma_wait3A_129 = tpu.memref_slice %arg7[%dma_wait3A_127, %dma_wait3A_128] : memref<256x128xf32, #tpu.memory_space<vmem>> -> memref<64x128xf32, #tpu.memory_space<vmem>>
    %dma_wait3A_130 = arith.constant 0 : i32
    %dma_wait3A_131 = tpu.memref_slice %arg6[%dma_wait3A_126, %dma_wait3A_130] : memref<4x64xi32, #tpu.memory_space<vmem>> -> memref<1x64xi32, #tpu.memory_space<vmem>>
    %dma_wait3A_132 = tpu.memref_squeeze %dma_wait3A_131 : memref<1x64xi32, #tpu.memory_space<vmem>> -> memref<64xi32, #tpu.memory_space<vmem>>
    %dma_wait3A_133 = arith.constant 0 : i32
    %dma_wait3A_134 = arith.constant 0 : i32
    %dma_wait3A_135 = tpu.memref_slice %arg3[%dma_wait3A_133, %dma_wait3A_134] : memref<1000000x128xf32, #tpu.memory_space<hbm>> -> memref<1000000x128xf32, #tpu.memory_space<hbm>>
    tpu.wait_indirect_dma semaphore(%arg10 : memref<!tpu.dma_semaphore, #tpu.memory_space<semaphore_mem>>) src(%dma_wait3A_135 : memref<1000000x128xf32, #tpu.memory_space<hbm>>) dst(%dma_wait3A_129 : memref<64x128xf32, #tpu.memory_space<vmem>>)
    %parallel_loop3A_136 = arith.constant 128 : i32
    %parallel_loop3A_137 = arith.constant 192 : i32
    %parallel_loop3A_138 = arith.constant 1 : i32
    scf.for %parallel_loop3A_228 = %parallel_loop3A_136 to %parallel_loop3A_137 step %parallel_loop3A_138  : i32 {
      %parallel_loop3A_229 = arith.index_cast %parallel_loop3A_228 : i32 to index
      %parallel_loop3A_230 = arith.constant 0 : index
      %parallel_loop3A_231 = tpu.vector_load %arg7[%parallel_loop3A_229, %parallel_loop3A_230] {strides = array<i32>} : memref<256x128xf32, #tpu.memory_space<vmem>>, vector<1x16xf32>,
      %parallel_loop3A_232 = vector.shape_cast %parallel_loop3A_231 : vector<1x16xf32> to vector<16xf32>
      %parallel_loop3A_233 = vector.broadcast %squeeze3A : f32 to vector<16xf32>
      %parallel_loop3A_234 = arith.mulf %parallel_loop3A_232, %parallel_loop3A_233 : vector<16xf32>
      %parallel_loop3A_235 = arith.index_cast %parallel_loop3A_228 : i32 to index
      %parallel_loop3A_236 = arith.constant 0 : index
      %parallel_loop3A_237 = tpu.vector_load %arg7[%parallel_loop3A_235, %parallel_loop3A_236] {strides = array<i32>} : memref<256x128xf32, #tpu.memory_space<vmem>>, vector<1x16xf32>,
      %parallel_loop3A_238 = vector.shape_cast %parallel_loop3A_237 : vector<1x16xf32> to vector<16xf32>
      %parallel_loop3A_239 = vector.shape_cast %parallel_loop3A_234 : vector<16xf32> to vector<1x16xf32>
      tpu.vector_store %arg7[%parallel_loop3A_235, %parallel_loop3A_236], %parallel_loop3A_239 {strides = array<i32>} : memref<256x128xf32, #tpu.memory_space<vmem>>, vector<1x16xf32>,
      %parallel_loop3A_240 = arith.index_cast %parallel_loop3A_228 : i32 to index
      %parallel_loop3A_241 = arith.constant 16 : index
      %parallel_loop3A_242 = tpu.vector_load %arg7[%parallel_loop3A_240, %parallel_loop3A_241] {strides = array<i32>} : memref<256x128xf32, #tpu.memory_space<vmem>>, vector<1x16xf32>,
      %parallel_loop3A_243 = vector.shape_cast %parallel_loop3A_242 : vector<1x16xf32> to vector<16xf32>
      %parallel_loop3A_244 = vector.broadcast %squeeze3A : f32 to vector<16xf32>
      %parallel_loop3A_245 = arith.mulf %parallel_loop3A_243, %parallel_loop3A_244 : vector<16xf32>
      %parallel_loop3A_246 = arith.index_cast %parallel_loop3A_228 : i32 to index
      %parallel_loop3A_247 = arith.constant 16 : index
      %parallel_loop3A_248 = tpu.vector_load %arg7[%parallel_loop3A_246, %parallel_loop3A_247] {strides = array<i32>} : memref<256x128xf32, #tpu.memory_space<vmem>>, vector<1x16xf32>,
      %parallel_loop3A_249 = vector.shape_cast %parallel_loop3A_248 : vector<1x16xf32> to vector<16xf32>
      %parallel_loop3A_250 = vector.shape_cast %parallel_loop3A_245 : vector<16xf32> to vector<1x16xf32>
      tpu.vector_store %arg7[%parallel_loop3A_246, %parallel_loop3A_247], %parallel_loop3A_250 {strides = array<i32>} : memref<256x128xf32, #tpu.memory_space<vmem>>, vector<1x16xf32>,
      %parallel_loop3A_251 = arith.index_cast %parallel_loop3A_228 : i32 to index
      %parallel_loop3A_252 = arith.constant 32 : index
      %parallel_loop3A_253 = tpu.vector_load %arg7[%parallel_loop3A_251, %parallel_loop3A_252] {strides = array<i32>} : memref<256x128xf32, #tpu.memory_space<vmem>>, vector<1x16xf32>,
      %parallel_loop3A_254 = vector.shape_cast %parallel_loop3A_253 : vector<1x16xf32> to vector<16xf32>
      %parallel_loop3A_255 = vector.broadcast %squeeze3A : f32 to vector<16xf32>
      %parallel_loop3A_256 = arith.mulf %parallel_loop3A_254, %parallel_loop3A_255 : vector<16xf32>
      %parallel_loop3A_257 = arith.index_cast %parallel_loop3A_228 : i32 to index
      %parallel_loop3A_258 = arith.constant 32 : index
      %parallel_loop3A_259 = tpu.vector_load %arg7[%parallel_loop3A_257, %parallel_loop3A_258] {strides = array<i32>} : memref<256x128xf32, #tpu.memory_space<vmem>>, vector<1x16xf32>,
      %parallel_loop3A_260 = vector.shape_cast %parallel_loop3A_259 : vector<1x16xf32> to vector<16xf32>
      %parallel_loop3A_261 = vector.shape_cast %parallel_loop3A_256 : vector<16xf32> to vector<1x16xf32>
      tpu.vector_store %arg7[%parallel_loop3A_257, %parallel_loop3A_258], %parallel_loop3A_261 {strides = array<i32>} : memref<256x128xf32, #tpu.memory_space<vmem>>, vector<1x16xf32>,
      %parallel_loop3A_262 = arith.index_cast %parallel_loop3A_228 : i32 to index
      %parallel_loop3A_263 = arith.constant 48 : index
      %parallel_loop3A_264 = tpu.vector_load %arg7[%parallel_loop3A_262, %parallel_loop3A_263] {strides = array<i32>} : memref<256x128xf32, #tpu.memory_space<vmem>>, vector<1x16xf32>,
      %parallel_loop3A_265 = vector.shape_cast %parallel_loop3A_264 : vector<1x16xf32> to vector<16xf32>
      %parallel_loop3A_266 = vector.broadcast %squeeze3A : f32 to vector<16xf32>
      %parallel_loop3A_267 = arith.mulf %parallel_loop3A_265, %parallel_loop3A_266 : vector<16xf32>
      %parallel_loop3A_268 = arith.index_cast %parallel_loop3A_228 : i32 to index
      %parallel_loop3A_269 = arith.constant 48 : index
      %parallel_loop3A_270 = tpu.vector_load %arg7[%parallel_loop3A_268, %parallel_loop3A_269] {strides = array<i32>} : memref<256x128xf32, #tpu.memory_space<vmem>>, vector<1x16xf32>,
      %parallel_loop3A_271 = vector.shape_cast %parallel_loop3A_270 : vector<1x16xf32> to vector<16xf32>
      %parallel_loop3A_272 = vector.shape_cast %parallel_loop3A_267 : vector<16xf32> to vector<1x16xf32>
      tpu.vector_store %arg7[%parallel_loop3A_268, %parallel_loop3A_269], %parallel_loop3A_272 {strides = array<i32>} : memref<256x128xf32, #tpu.memory_space<vmem>>, vector<1x16xf32>,
      %parallel_loop3A_273 = arith.index_cast %parallel_loop3A_228 : i32 to index
      %parallel_loop3A_274 = arith.constant 64 : index
      %parallel_loop3A_275 = tpu.vector_load %arg7[%parallel_loop3A_273, %parallel_loop3A_274] {strides = array<i32>} : memref<256x128xf32, #tpu.memory_space<vmem>>, vector<1x16xf32>,
      %parallel_loop3A_276 = vector.shape_cast %parallel_loop3A_275 : vector<1x16xf32> to vector<16xf32>
      %parallel_loop3A_277 = vector.broadcast %squeeze3A : f32 to vector<16xf32>
      %parallel_loop3A_278 = arith.mulf %parallel_loop3A_276, %parallel_loop3A_277 : vector<16xf32>
      %parallel_loop3A_279 = arith.index_cast %parallel_loop3A_228 : i32 to index
      %parallel_loop3A_280 = arith.constant 64 : index
      %parallel_loop3A_281 = tpu.vector_load %arg7[%parallel_loop3A_279, %parallel_loop3A_280] {strides = array<i32>} : memref<256x128xf32, #tpu.memory_space<vmem>>, vector<1x16xf32>,
      %parallel_loop3A_282 = vector.shape_cast %parallel_loop3A_281 : vector<1x16xf32> to vector<16xf32>
      %parallel_loop3A_283 = vector.shape_cast %parallel_loop3A_278 : vector<16xf32> to vector<1x16xf32>
      tpu.vector_store %arg7[%parallel_loop3A_279, %parallel_loop3A_280], %parallel_loop3A_283 {strides = array<i32>} : memref<256x128xf32, #tpu.memory_space<vmem>>, vector<1x16xf32>,
      %parallel_loop3A_284 = arith.index_cast %parallel_loop3A_228 : i32 to index
      %parallel_loop3A_285 = arith.constant 80 : index
      %parallel_loop3A_286 = tpu.vector_load %arg7[%parallel_loop3A_284, %parallel_loop3A_285] {strides = array<i32>} : memref<256x128xf32, #tpu.memory_space<vmem>>, vector<1x16xf32>,
      %parallel_loop3A_287 = vector.shape_cast %parallel_loop3A_286 : vector<1x16xf32> to vector<16xf32>
      %parallel_loop3A_288 = vector.broadcast %squeeze3A : f32 to vector<16xf32>
      %parallel_loop3A_289 = arith.mulf %parallel_loop3A_287, %parallel_loop3A_288 : vector<16xf32>
      %parallel_loop3A_290 = arith.index_cast %parallel_loop3A_228 : i32 to index
      %parallel_loop3A_291 = arith.constant 80 : index
      %parallel_loop3A_292 = tpu.vector_load %arg7[%parallel_loop3A_290, %parallel_loop3A_291] {strides = array<i32>} : memref<256x128xf32, #tpu.memory_space<vmem>>, vector<1x16xf32>,
      %parallel_loop3A_293 = vector.shape_cast %parallel_loop3A_292 : vector<1x16xf32> to vector<16xf32>
      %parallel_loop3A_294 = vector.shape_cast %parallel_loop3A_289 : vector<16xf32> to vector<1x16xf32>
      tpu.vector_store %arg7[%parallel_loop3A_290, %parallel_loop3A_291], %parallel_loop3A_294 {strides = array<i32>} : memref<256x128xf32, #tpu.memory_space<vmem>>, vector<1x16xf32>,
      %parallel_loop3A_295 = arith.index_cast %parallel_loop3A_228 : i32 to index
      %parallel_loop3A_296 = arith.constant 96 : index
      %parallel_loop3A_297 = tpu.vector_load %arg7[%parallel_loop3A_295, %parallel_loop3A_296] {strides = array<i32>} : memref<256x128xf32, #tpu.memory_space<vmem>>, vector<1x16xf32>,
      %parallel_loop3A_298 = vector.shape_cast %parallel_loop3A_297 : vector<1x16xf32> to vector<16xf32>
      %parallel_loop3A_299 = vector.broadcast %squeeze3A : f32 to vector<16xf32>
      %parallel_loop3A_300 = arith.mulf %parallel_loop3A_298, %parallel_loop3A_299 : vector<16xf32>
      %parallel_loop3A_301 = arith.index_cast %parallel_loop3A_228 : i32 to index
      %parallel_loop3A_302 = arith.constant 96 : index
      %parallel_loop3A_303 = tpu.vector_load %arg7[%parallel_loop3A_301, %parallel_loop3A_302] {strides = array<i32>} : memref<256x128xf32, #tpu.memory_space<vmem>>, vector<1x16xf32>,
      %parallel_loop3A_304 = vector.shape_cast %parallel_loop3A_303 : vector<1x16xf32> to vector<16xf32>
      %parallel_loop3A_305 = vector.shape_cast %parallel_loop3A_300 : vector<16xf32> to vector<1x16xf32>
      tpu.vector_store %arg7[%parallel_loop3A_301, %parallel_loop3A_302], %parallel_loop3A_305 {strides = array<i32>} : memref<256x128xf32, #tpu.memory_space<vmem>>, vector<1x16xf32>,
      %parallel_loop3A_306 = arith.index_cast %parallel_loop3A_228 : i32 to index
      %parallel_loop3A_307 = arith.constant 112 : index
      %parallel_loop3A_308 = tpu.vector_load %arg7[%parallel_loop3A_306, %parallel_loop3A_307] {strides = array<i32>} : memref<256x128xf32, #tpu.memory_space<vmem>>, vector<1x16xf32>,
      %parallel_loop3A_309 = vector.shape_cast %parallel_loop3A_308 : vector<1x16xf32> to vector<16xf32>
      %parallel_loop3A_310 = vector.broadcast %squeeze3A : f32 to vector<16xf32>
      %parallel_loop3A_311 = arith.mulf %parallel_loop3A_309, %parallel_loop3A_310 : vector<16xf32>
      %parallel_loop3A_312 = arith.index_cast %parallel_loop3A_228 : i32 to index
      %parallel_loop3A_313 = arith.constant 112 : index
      %parallel_loop3A_314 = tpu.vector_load %arg7[%parallel_loop3A_312, %parallel_loop3A_313] {strides = array<i32>} : memref<256x128xf32, #tpu.memory_space<vmem>>, vector<1x16xf32>,
      %parallel_loop3A_315 = vector.shape_cast %parallel_loop3A_314 : vector<1x16xf32> to vector<16xf32>
      %parallel_loop3A_316 = vector.shape_cast %parallel_loop3A_311 : vector<16xf32> to vector<1x16xf32>
      tpu.vector_store %arg7[%parallel_loop3A_312, %parallel_loop3A_313], %parallel_loop3A_316 {strides = array<i32>} : memref<256x128xf32, #tpu.memory_space<vmem>>, vector<1x16xf32>,
    } {sc.loop_unroll_factor = 2 : i64, sc.parallel_access}
    %add3A_139 = arith.constant 128 : i32
    %add3A_140 = arith.addi %select_n3A_34, %add3A_139 : i32
    %dma_start3A_141 = arith.constant 128 : i32
    %dma_start3A_142 = arith.constant 0 : i32
    %dma_start3A_143 = tpu.memref_slice %arg7[%dma_start3A_141, %dma_start3A_142] : memref<256x128xf32, #tpu.memory_space<vmem>> -> memref<64x128xf32, #tpu.memory_space<vmem>>
    %dma_start3A_144 = arith.constant 0 : i32
    %dma_start3A_145 = tpu.memref_slice %arg5[%select_n3A, %add3A_140, %dma_start3A_144] : memref<4x2048x128xf32, #tpu.memory_space<hbm>> -> memref<1x64x128xf32, #tpu.memory_space<hbm>>
    %dma_start3A_146 = tpu.memref_squeeze %dma_start3A_145 : memref<1x64x128xf32, #tpu.memory_space<hbm>> -> memref<64x128xf32, #tpu.memory_space<hbm>>
    %dma_start3A_147 = arith.constant 0 : i32
    %dma_start3A_148 = tpu.memref_slice %arg5[%select_n3A, %add3A_140, %dma_start3A_147] : memref<4x2048x128xf32, #tpu.memory_space<hbm>> -> memref<1x64x128xf32, #tpu.memory_space<hbm>>
    %dma_start3A_149 = tpu.memref_squeeze %dma_start3A_148 : memref<1x64x128xf32, #tpu.memory_space<hbm>> -> memref<64x128xf32, #tpu.memory_space<hbm>>
    %dma_start3A_150 = arith.constant 128 : i32
    %dma_start3A_151 = arith.constant 0 : i32
    %dma_start3A_152 = tpu.memref_slice %arg7[%dma_start3A_150, %dma_start3A_151] : memref<256x128xf32, #tpu.memory_space<vmem>> -> memref<64x128xf32, #tpu.memory_space<vmem>>
    tpu.enqueue_dma source(%dma_start3A_152 : memref<64x128xf32, #tpu.memory_space<vmem>>) target(%dma_start3A_149 : memref<64x128xf32, #tpu.memory_space<hbm>>) target_semaphore(%arg12 : memref<!tpu.dma_semaphore, #tpu.memory_space<semaphore_mem>>)
    %dma_wait3A_153 = arith.constant 3 : i32
    %dma_wait3A_154 = arith.constant 192 : i32
    %dma_wait3A_155 = arith.constant 0 : i32
    %dma_wait3A_156 = tpu.memref_slice %arg7[%dma_wait3A_154, %dma_wait3A_155] : memref<256x128xf32, #tpu.memory_space<vmem>> -> memref<64x128xf32, #tpu.memory_space<vmem>>
    %dma_wait3A_157 = arith.constant 0 : i32
    %dma_wait3A_158 = tpu.memref_slice %arg6[%dma_wait3A_153, %dma_wait3A_157] : memref<4x64xi32, #tpu.memory_space<vmem>> -> memref<1x64xi32, #tpu.memory_space<vmem>>
    %dma_wait3A_159 = tpu.memref_squeeze %dma_wait3A_158 : memref<1x64xi32, #tpu.memory_space<vmem>> -> memref<64xi32, #tpu.memory_space<vmem>>
    %dma_wait3A_160 = arith.constant 0 : i32
    %dma_wait3A_161 = arith.constant 0 : i32
    %dma_wait3A_162 = tpu.memref_slice %arg3[%dma_wait3A_160, %dma_wait3A_161] : memref<1000000x128xf32, #tpu.memory_space<hbm>> -> memref<1000000x128xf32, #tpu.memory_space<hbm>>
    tpu.wait_indirect_dma semaphore(%arg11 : memref<!tpu.dma_semaphore, #tpu.memory_space<semaphore_mem>>) src(%dma_wait3A_162 : memref<1000000x128xf32, #tpu.memory_space<hbm>>) dst(%dma_wait3A_156 : memref<64x128xf32, #tpu.memory_space<vmem>>)
    %parallel_loop3A_163 = arith.constant 192 : i32
    %parallel_loop3A_164 = arith.constant 256 : i32
    %parallel_loop3A_165 = arith.constant 1 : i32
    scf.for %parallel_loop3A_228 = %parallel_loop3A_163 to %parallel_loop3A_164 step %parallel_loop3A_165  : i32 {
      %parallel_loop3A_229 = arith.index_cast %parallel_loop3A_228 : i32 to index
      %parallel_loop3A_230 = arith.constant 0 : index
      %parallel_loop3A_231 = tpu.vector_load %arg7[%parallel_loop3A_229, %parallel_loop3A_230] {strides = array<i32>} : memref<256x128xf32, #tpu.memory_space<vmem>>, vector<1x16xf32>,
      %parallel_loop3A_232 = vector.shape_cast %parallel_loop3A_231 : vector<1x16xf32> to vector<16xf32>
      %parallel_loop3A_233 = vector.broadcast %squeeze3A : f32 to vector<16xf32>
      %parallel_loop3A_234 = arith.mulf %parallel_loop3A_232, %parallel_loop3A_233 : vector<16xf32>
      %parallel_loop3A_235 = arith.index_cast %parallel_loop3A_228 : i32 to index
      %parallel_loop3A_236 = arith.constant 0 : index
      %parallel_loop3A_237 = tpu.vector_load %arg7[%parallel_loop3A_235, %parallel_loop3A_236] {strides = array<i32>} : memref<256x128xf32, #tpu.memory_space<vmem>>, vector<1x16xf32>,
      %parallel_loop3A_238 = vector.shape_cast %parallel_loop3A_237 : vector<1x16xf32> to vector<16xf32>
      %parallel_loop3A_239 = vector.shape_cast %parallel_loop3A_234 : vector<16xf32> to vector<1x16xf32>
      tpu.vector_store %arg7[%parallel_loop3A_235, %parallel_loop3A_236], %parallel_loop3A_239 {strides = array<i32>} : memref<256x128xf32, #tpu.memory_space<vmem>>, vector<1x16xf32>,
      %parallel_loop3A_240 = arith.index_cast %parallel_loop3A_228 : i32 to index
      %parallel_loop3A_241 = arith.constant 16 : index
      %parallel_loop3A_242 = tpu.vector_load %arg7[%parallel_loop3A_240, %parallel_loop3A_241] {strides = array<i32>} : memref<256x128xf32, #tpu.memory_space<vmem>>, vector<1x16xf32>,
      %parallel_loop3A_243 = vector.shape_cast %parallel_loop3A_242 : vector<1x16xf32> to vector<16xf32>
      %parallel_loop3A_244 = vector.broadcast %squeeze3A : f32 to vector<16xf32>
      %parallel_loop3A_245 = arith.mulf %parallel_loop3A_243, %parallel_loop3A_244 : vector<16xf32>
      %parallel_loop3A_246 = arith.index_cast %parallel_loop3A_228 : i32 to index
      %parallel_loop3A_247 = arith.constant 16 : index
      %parallel_loop3A_248 = tpu.vector_load %arg7[%parallel_loop3A_246, %parallel_loop3A_247] {strides = array<i32>} : memref<256x128xf32, #tpu.memory_space<vmem>>, vector<1x16xf32>,
      %parallel_loop3A_249 = vector.shape_cast %parallel_loop3A_248 : vector<1x16xf32> to vector<16xf32>
      %parallel_loop3A_250 = vector.shape_cast %parallel_loop3A_245 : vector<16xf32> to vector<1x16xf32>
      tpu.vector_store %arg7[%parallel_loop3A_246, %parallel_loop3A_247], %parallel_loop3A_250 {strides = array<i32>} : memref<256x128xf32, #tpu.memory_space<vmem>>, vector<1x16xf32>,
      %parallel_loop3A_251 = arith.index_cast %parallel_loop3A_228 : i32 to index
      %parallel_loop3A_252 = arith.constant 32 : index
      %parallel_loop3A_253 = tpu.vector_load %arg7[%parallel_loop3A_251, %parallel_loop3A_252] {strides = array<i32>} : memref<256x128xf32, #tpu.memory_space<vmem>>, vector<1x16xf32>,
      %parallel_loop3A_254 = vector.shape_cast %parallel_loop3A_253 : vector<1x16xf32> to vector<16xf32>
      %parallel_loop3A_255 = vector.broadcast %squeeze3A : f32 to vector<16xf32>
      %parallel_loop3A_256 = arith.mulf %parallel_loop3A_254, %parallel_loop3A_255 : vector<16xf32>
      %parallel_loop3A_257 = arith.index_cast %parallel_loop3A_228 : i32 to index
      %parallel_loop3A_258 = arith.constant 32 : index
      %parallel_loop3A_259 = tpu.vector_load %arg7[%parallel_loop3A_257, %parallel_loop3A_258] {strides = array<i32>} : memref<256x128xf32, #tpu.memory_space<vmem>>, vector<1x16xf32>,
      %parallel_loop3A_260 = vector.shape_cast %parallel_loop3A_259 : vector<1x16xf32> to vector<16xf32>
      %parallel_loop3A_261 = vector.shape_cast %parallel_loop3A_256 : vector<16xf32> to vector<1x16xf32>
      tpu.vector_store %arg7[%parallel_loop3A_257, %parallel_loop3A_258], %parallel_loop3A_261 {strides = array<i32>} : memref<256x128xf32, #tpu.memory_space<vmem>>, vector<1x16xf32>,
      %parallel_loop3A_262 = arith.index_cast %parallel_loop3A_228 : i32 to index
      %parallel_loop3A_263 = arith.constant 48 : index
      %parallel_loop3A_264 = tpu.vector_load %arg7[%parallel_loop3A_262, %parallel_loop3A_263] {strides = array<i32>} : memref<256x128xf32, #tpu.memory_space<vmem>>, vector<1x16xf32>,
      %parallel_loop3A_265 = vector.shape_cast %parallel_loop3A_264 : vector<1x16xf32> to vector<16xf32>
      %parallel_loop3A_266 = vector.broadcast %squeeze3A : f32 to vector<16xf32>
      %parallel_loop3A_267 = arith.mulf %parallel_loop3A_265, %parallel_loop3A_266 : vector<16xf32>
      %parallel_loop3A_268 = arith.index_cast %parallel_loop3A_228 : i32 to index
      %parallel_loop3A_269 = arith.constant 48 : index
      %parallel_loop3A_270 = tpu.vector_load %arg7[%parallel_loop3A_268, %parallel_loop3A_269] {strides = array<i32>} : memref<256x128xf32, #tpu.memory_space<vmem>>, vector<1x16xf32>,
      %parallel_loop3A_271 = vector.shape_cast %parallel_loop3A_270 : vector<1x16xf32> to vector<16xf32>
      %parallel_loop3A_272 = vector.shape_cast %parallel_loop3A_267 : vector<16xf32> to vector<1x16xf32>
      tpu.vector_store %arg7[%parallel_loop3A_268, %parallel_loop3A_269], %parallel_loop3A_272 {strides = array<i32>} : memref<256x128xf32, #tpu.memory_space<vmem>>, vector<1x16xf32>,
      %parallel_loop3A_273 = arith.index_cast %parallel_loop3A_228 : i32 to index
      %parallel_loop3A_274 = arith.constant 64 : index
      %parallel_loop3A_275 = tpu.vector_load %arg7[%parallel_loop3A_273, %parallel_loop3A_274] {strides = array<i32>} : memref<256x128xf32, #tpu.memory_space<vmem>>, vector<1x16xf32>,
      %parallel_loop3A_276 = vector.shape_cast %parallel_loop3A_275 : vector<1x16xf32> to vector<16xf32>
      %parallel_loop3A_277 = vector.broadcast %squeeze3A : f32 to vector<16xf32>
      %parallel_loop3A_278 = arith.mulf %parallel_loop3A_276, %parallel_loop3A_277 : vector<16xf32>
      %parallel_loop3A_279 = arith.index_cast %parallel_loop3A_228 : i32 to index
      %parallel_loop3A_280 = arith.constant 64 : index
      %parallel_loop3A_281 = tpu.vector_load %arg7[%parallel_loop3A_279, %parallel_loop3A_280] {strides = array<i32>} : memref<256x128xf32, #tpu.memory_space<vmem>>, vector<1x16xf32>,
      %parallel_loop3A_282 = vector.shape_cast %parallel_loop3A_281 : vector<1x16xf32> to vector<16xf32>
      %parallel_loop3A_283 = vector.shape_cast %parallel_loop3A_278 : vector<16xf32> to vector<1x16xf32>
      tpu.vector_store %arg7[%parallel_loop3A_279, %parallel_loop3A_280], %parallel_loop3A_283 {strides = array<i32>} : memref<256x128xf32, #tpu.memory_space<vmem>>, vector<1x16xf32>,
      %parallel_loop3A_284 = arith.index_cast %parallel_loop3A_228 : i32 to index
      %parallel_loop3A_285 = arith.constant 80 : index
      %parallel_loop3A_286 = tpu.vector_load %arg7[%parallel_loop3A_284, %parallel_loop3A_285] {strides = array<i32>} : memref<256x128xf32, #tpu.memory_space<vmem>>, vector<1x16xf32>,
      %parallel_loop3A_287 = vector.shape_cast %parallel_loop3A_286 : vector<1x16xf32> to vector<16xf32>
      %parallel_loop3A_288 = vector.broadcast %squeeze3A : f32 to vector<16xf32>
      %parallel_loop3A_289 = arith.mulf %parallel_loop3A_287, %parallel_loop3A_288 : vector<16xf32>
      %parallel_loop3A_290 = arith.index_cast %parallel_loop3A_228 : i32 to index
      %parallel_loop3A_291 = arith.constant 80 : index
      %parallel_loop3A_292 = tpu.vector_load %arg7[%parallel_loop3A_290, %parallel_loop3A_291] {strides = array<i32>} : memref<256x128xf32, #tpu.memory_space<vmem>>, vector<1x16xf32>,
      %parallel_loop3A_293 = vector.shape_cast %parallel_loop3A_292 : vector<1x16xf32> to vector<16xf32>
      %parallel_loop3A_294 = vector.shape_cast %parallel_loop3A_289 : vector<16xf32> to vector<1x16xf32>
      tpu.vector_store %arg7[%parallel_loop3A_290, %parallel_loop3A_291], %parallel_loop3A_294 {strides = array<i32>} : memref<256x128xf32, #tpu.memory_space<vmem>>, vector<1x16xf32>,
      %parallel_loop3A_295 = arith.index_cast %parallel_loop3A_228 : i32 to index
      %parallel_loop3A_296 = arith.constant 96 : index
      %parallel_loop3A_297 = tpu.vector_load %arg7[%parallel_loop3A_295, %parallel_loop3A_296] {strides = array<i32>} : memref<256x128xf32, #tpu.memory_space<vmem>>, vector<1x16xf32>,
      %parallel_loop3A_298 = vector.shape_cast %parallel_loop3A_297 : vector<1x16xf32> to vector<16xf32>
      %parallel_loop3A_299 = vector.broadcast %squeeze3A : f32 to vector<16xf32>
      %parallel_loop3A_300 = arith.mulf %parallel_loop3A_298, %parallel_loop3A_299 : vector<16xf32>
      %parallel_loop3A_301 = arith.index_cast %parallel_loop3A_228 : i32 to index
      %parallel_loop3A_302 = arith.constant 96 : index
      %parallel_loop3A_303 = tpu.vector_load %arg7[%parallel_loop3A_301, %parallel_loop3A_302] {strides = array<i32>} : memref<256x128xf32, #tpu.memory_space<vmem>>, vector<1x16xf32>,
      %parallel_loop3A_304 = vector.shape_cast %parallel_loop3A_303 : vector<1x16xf32> to vector<16xf32>
      %parallel_loop3A_305 = vector.shape_cast %parallel_loop3A_300 : vector<16xf32> to vector<1x16xf32>
      tpu.vector_store %arg7[%parallel_loop3A_301, %parallel_loop3A_302], %parallel_loop3A_305 {strides = array<i32>} : memref<256x128xf32, #tpu.memory_space<vmem>>, vector<1x16xf32>,
      %parallel_loop3A_306 = arith.index_cast %parallel_loop3A_228 : i32 to index
      %parallel_loop3A_307 = arith.constant 112 : index
      %parallel_loop3A_308 = tpu.vector_load %arg7[%parallel_loop3A_306, %parallel_loop3A_307] {strides = array<i32>} : memref<256x128xf32, #tpu.memory_space<vmem>>, vector<1x16xf32>,
      %parallel_loop3A_309 = vector.shape_cast %parallel_loop3A_308 : vector<1x16xf32> to vector<16xf32>
      %parallel_loop3A_310 = vector.broadcast %squeeze3A : f32 to vector<16xf32>
      %parallel_loop3A_311 = arith.mulf %parallel_loop3A_309, %parallel_loop3A_310 : vector<16xf32>
      %parallel_loop3A_312 = arith.index_cast %parallel_loop3A_228 : i32 to index
      %parallel_loop3A_313 = arith.constant 112 : index
      %parallel_loop3A_314 = tpu.vector_load %arg7[%parallel_loop3A_312, %parallel_loop3A_313] {strides = array<i32>} : memref<256x128xf32, #tpu.memory_space<vmem>>, vector<1x16xf32>,
      %parallel_loop3A_315 = vector.shape_cast %parallel_loop3A_314 : vector<1x16xf32> to vector<16xf32>
      %parallel_loop3A_316 = vector.shape_cast %parallel_loop3A_311 : vector<16xf32> to vector<1x16xf32>
      tpu.vector_store %arg7[%parallel_loop3A_312, %parallel_loop3A_313], %parallel_loop3A_316 {strides = array<i32>} : memref<256x128xf32, #tpu.memory_space<vmem>>, vector<1x16xf32>,
    } {sc.loop_unroll_factor = 2 : i64, sc.parallel_access}
    %add3A_166 = arith.constant 192 : i32
    %add3A_167 = arith.addi %select_n3A_34, %add3A_166 : i32
    %dma_start3A_168 = arith.constant 192 : i32
    %dma_start3A_169 = arith.constant 0 : i32
    %dma_start3A_170 = tpu.memref_slice %arg7[%dma_start3A_168, %dma_start3A_169] : memref<256x128xf32, #tpu.memory_space<vmem>> -> memref<64x128xf32, #tpu.memory_space<vmem>>
    %dma_start3A_171 = arith.constant 0 : i32
    %dma_start3A_172 = tpu.memref_slice %arg5[%select_n3A, %add3A_167, %dma_start3A_171] : memref<4x2048x128xf32, #tpu.memory_space<hbm>> -> memref<1x64x128xf32, #tpu.memory_space<hbm>>
    %dma_start3A_173 = tpu.memref_squeeze %dma_start3A_172 : memref<1x64x128xf32, #tpu.memory_space<hbm>> -> memref<64x128xf32, #tpu.memory_space<hbm>>
    %dma_start3A_174 = arith.constant 0 : i32
    %dma_start3A_175 = tpu.memref_slice %arg5[%select_n3A, %add3A_167, %dma_start3A_174] : memref<4x2048x128xf32, #tpu.memory_space<hbm>> -> memref<1x64x128xf32, #tpu.memory_space<hbm>>
    %dma_start3A_176 = tpu.memref_squeeze %dma_start3A_175 : memref<1x64x128xf32, #tpu.memory_space<hbm>> -> memref<64x128xf32, #tpu.memory_space<hbm>>
    %dma_start3A_177 = arith.constant 192 : i32
    %dma_start3A_178 = arith.constant 0 : i32
    %dma_start3A_179 = tpu.memref_slice %arg7[%dma_start3A_177, %dma_start3A_178] : memref<256x128xf32, #tpu.memory_space<vmem>> -> memref<64x128xf32, #tpu.memory_space<vmem>>
    tpu.enqueue_dma source(%dma_start3A_179 : memref<64x128xf32, #tpu.memory_space<vmem>>) target(%dma_start3A_176 : memref<64x128xf32, #tpu.memory_space<hbm>>) target_semaphore(%arg12 : memref<!tpu.dma_semaphore, #tpu.memory_space<semaphore_mem>>)
    %dma_wait3A_180 = arith.constant 0 : i32
    %dma_wait3A_181 = arith.constant 0 : i32
    %dma_wait3A_182 = tpu.memref_slice %arg7[%dma_wait3A_180, %dma_wait3A_181] : memref<256x128xf32, #tpu.memory_space<vmem>> -> memref<64x128xf32, #tpu.memory_space<vmem>>
    %dma_wait3A_183 = arith.constant 0 : i32
    %dma_wait3A_184 = tpu.memref_slice %arg5[%select_n3A, %add3A_86, %dma_wait3A_183] : memref<4x2048x128xf32, #tpu.memory_space<hbm>> -> memref<1x64x128xf32, #tpu.memory_space<hbm>>
    %dma_wait3A_185 = tpu.memref_squeeze %dma_wait3A_184 : memref<1x64x128xf32, #tpu.memory_space<hbm>> -> memref<64x128xf32, #tpu.memory_space<hbm>>
    %dma_wait3A_186 = arith.constant 0 : i32
    %dma_wait3A_187 = tpu.memref_slice %arg5[%select_n3A, %add3A_86, %dma_wait3A_186] : memref<4x2048x128xf32, #tpu.memory_space<hbm>> -> memref<1x64x128xf32, #tpu.memory_space<hbm>>
    %dma_wait3A_188 = tpu.memref_squeeze %dma_wait3A_187 : memref<1x64x128xf32, #tpu.memory_space<hbm>> -> memref<64x128xf32, #tpu.memory_space<hbm>>
    %dma_wait3A_189 = arith.constant 0 : i32
    %dma_wait3A_190 = arith.constant 0 : i32
    %dma_wait3A_191 = tpu.memref_slice %arg7[%dma_wait3A_189, %dma_wait3A_190] : memref<256x128xf32, #tpu.memory_space<vmem>> -> memref<64x128xf32, #tpu.memory_space<vmem>>
    tpu.wait_dma2 semaphore(%arg12 : memref<!tpu.dma_semaphore, #tpu.memory_space<semaphore_mem>>) src(%dma_wait3A_191 : memref<64x128xf32, #tpu.memory_space<vmem>>) dst(%dma_wait3A_188 : memref<64x128xf32, #tpu.memory_space<hbm>>)
    %dma_wait3A_192 = arith.constant 64 : i32
    %dma_wait3A_193 = arith.constant 0 : i32
    %dma_wait3A_194 = tpu.memref_slice %arg7[%dma_wait3A_192, %dma_wait3A_193] : memref<256x128xf32, #tpu.memory_space<vmem>> -> memref<64x128xf32, #tpu.memory_space<vmem>>
    %dma_wait3A_195 = arith.constant 0 : i32
    %dma_wait3A_196 = tpu.memref_slice %arg5[%select_n3A, %add3A_113, %dma_wait3A_195] : memref<4x2048x128xf32, #tpu.memory_space<hbm>> -> memref<1x64x128xf32, #tpu.memory_space<hbm>>
    %dma_wait3A_197 = tpu.memref_squeeze %dma_wait3A_196 : memref<1x64x128xf32, #tpu.memory_space<hbm>> -> memref<64x128xf32, #tpu.memory_space<hbm>>
    %dma_wait3A_198 = arith.constant 0 : i32
    %dma_wait3A_199 = tpu.memref_slice %arg5[%select_n3A, %add3A_113, %dma_wait3A_198] : memref<4x2048x128xf32, #tpu.memory_space<hbm>> -> memref<1x64x128xf32, #tpu.memory_space<hbm>>
    %dma_wait3A_200 = tpu.memref_squeeze %dma_wait3A_199 : memref<1x64x128xf32, #tpu.memory_space<hbm>> -> memref<64x128xf32, #tpu.memory_space<hbm>>
    %dma_wait3A_201 = arith.constant 64 : i32
    %dma_wait3A_202 = arith.constant 0 : i32
    %dma_wait3A_203 = tpu.memref_slice %arg7[%dma_wait3A_201, %dma_wait3A_202] : memref<256x128xf32, #tpu.memory_space<vmem>> -> memref<64x128xf32, #tpu.memory_space<vmem>>
    tpu.wait_dma2 semaphore(%arg12 : memref<!tpu.dma_semaphore, #tpu.memory_space<semaphore_mem>>) src(%dma_wait3A_203 : memref<64x128xf32, #tpu.memory_space<vmem>>) dst(%dma_wait3A_200 : memref<64x128xf32, #tpu.memory_space<hbm>>)
    %dma_wait3A_204 = arith.constant 128 : i32
    %dma_wait3A_205 = arith.constant 0 : i32
    %dma_wait3A_206 = tpu.memref_slice %arg7[%dma_wait3A_204, %dma_wait3A_205] : memref<256x128xf32, #tpu.memory_space<vmem>> -> memref<64x128xf32, #tpu.memory_space<vmem>>
    %dma_wait3A_207 = arith.constant 0 : i32
    %dma_wait3A_208 = tpu.memref_slice %arg5[%select_n3A, %add3A_140, %dma_wait3A_207] : memref<4x2048x128xf32, #tpu.memory_space<hbm>> -> memref<1x64x128xf32, #tpu.memory_space<hbm>>
    %dma_wait3A_209 = tpu.memref_squeeze %dma_wait3A_208 : memref<1x64x128xf32, #tpu.memory_space<hbm>> -> memref<64x128xf32, #tpu.memory_space<hbm>>
    %dma_wait3A_210 = arith.constant 0 : i32
    %dma_wait3A_211 = tpu.memref_slice %arg5[%select_n3A, %add3A_140, %dma_wait3A_210] : memref<4x2048x128xf32, #tpu.memory_space<hbm>> -> memref<1x64x128xf32, #tpu.memory_space<hbm>>
    %dma_wait3A_212 = tpu.memref_squeeze %dma_wait3A_211 : memref<1x64x128xf32, #tpu.memory_space<hbm>> -> memref<64x128xf32, #tpu.memory_space<hbm>>
    %dma_wait3A_213 = arith.constant 128 : i32
    %dma_wait3A_214 = arith.constant 0 : i32
    %dma_wait3A_215 = tpu.memref_slice %arg7[%dma_wait3A_213, %dma_wait3A_214] : memref<256x128xf32, #tpu.memory_space<vmem>> -> memref<64x128xf32, #tpu.memory_space<vmem>>
    tpu.wait_dma2 semaphore(%arg12 : memref<!tpu.dma_semaphore, #tpu.memory_space<semaphore_mem>>) src(%dma_wait3A_215 : memref<64x128xf32, #tpu.memory_space<vmem>>) dst(%dma_wait3A_212 : memref<64x128xf32, #tpu.memory_space<hbm>>)
    %dma_wait3A_216 = arith.constant 192 : i32
    %dma_wait3A_217 = arith.constant 0 : i32
    %dma_wait3A_218 = tpu.memref_slice %arg7[%dma_wait3A_216, %dma_wait3A_217] : memref<256x128xf32, #tpu.memory_space<vmem>> -> memref<64x128xf32, #tpu.memory_space<vmem>>
    %dma_wait3A_219 = arith.constant 0 : i32
    %dma_wait3A_220 = tpu.memref_slice %arg5[%select_n3A, %add3A_167, %dma_wait3A_219] : memref<4x2048x128xf32, #tpu.memory_space<hbm>> -> memref<1x64x128xf32, #tpu.memory_space<hbm>>
    %dma_wait3A_221 = tpu.memref_squeeze %dma_wait3A_220 : memref<1x64x128xf32, #tpu.memory_space<hbm>> -> memref<64x128xf32, #tpu.memory_space<hbm>>
    %dma_wait3A_222 = arith.constant 0 : i32
    %dma_wait3A_223 = tpu.memref_slice %arg5[%select_n3A, %add3A_167, %dma_wait3A_222] : memref<4x2048x128xf32, #tpu.memory_space<hbm>> -> memref<1x64x128xf32, #tpu.memory_space<hbm>>
    %dma_wait3A_224 = tpu.memref_squeeze %dma_wait3A_223 : memref<1x64x128xf32, #tpu.memory_space<hbm>> -> memref<64x128xf32, #tpu.memory_space<hbm>>
    %dma_wait3A_225 = arith.constant 192 : i32
    %dma_wait3A_226 = arith.constant 0 : i32
    %dma_wait3A_227 = tpu.memref_slice %arg7[%dma_wait3A_225, %dma_wait3A_226] : memref<256x128xf32, #tpu.memory_space<vmem>> -> memref<64x128xf32, #tpu.memory_space<vmem>>
    tpu.wait_dma2 semaphore(%arg12 : memref<!tpu.dma_semaphore, #tpu.memory_space<semaphore_mem>>) src(%dma_wait3A_227 : memref<64x128xf32, #tpu.memory_space<vmem>>) dst(%dma_wait3A_224 : memref<64x128xf32, #tpu.memory_space<hbm>>)
    return
  }
}

</mosaic_0001>

<sc_bundles>
// kernel: kernel.3.cloned.1.call-start
scs
__scs_entry_jumppad:
0x0: {  	(pc) =	sbr.rel $0x88, $3  }
0x1: {  	(tag) =	ssettag $0x0;
	lr =	simm.s32 $0x1  }
0x2: {  	[smem:$0x3F9F] =	sst lr;
	_ =	strace $0xD0000000  }
0x3: {  	_ = 	snop  }
0x4: {  	_ = 	snop  }
0x5: {  	_ = 	snop  }
0x6: {  	_ = 	snop  }
0x7: {  	_ = 	snop  }
__scs_overlays_trampoline_lowered:
0x8: {  	[smem:$0x3FAE] =	sst s0  }
0x9: {  	[smem:$0x3FAF] =	sst s1  }
0xa: {  	[smem:$0x3FB0] =	sst s2  }
0xb: {  	[smem:$0x3FB1] =	sst s3  }
0xc: {  	[smem:$0x3FB2] =	sst s4  }
0xd: {  	[smem:$0x3FB3] =	sst s5  }
0xe: {  	[smem:$0x3FB4] =	sst s6  }
0xf: {  	[smem:$0x3FB5] =	sst s7  }
0x10: {  	[smem:$0x3FB6] =	sst s8  }
0x11: {  	[smem:$0x3FB7] =	sst s9;
	s0 =	simm.s32 @!p0 $0x0  }
0x12: {  	s1 =	sld [smem:$0x3F9D];
	s0 =	simm.s32 @p0 $0x1  }
0x13: {  	[smem:$0x3FB8] =	sst s0;
	s0 =	simm.s32 @!p1 $0x0  }
0x14: {  	s2 =	sld [smem:$0x3F9C];
	s0 =	simm.s32 @p1 $0x1  }
0x15: {  	[smem:$0x3FB9] =	sst s0;
	s0 =	simm.s32 @!p2 $0x0  }
0x16: {  	s3 =	sld [smem:$0x3FDB];
	s0 =	simm.s32 @p2 $0x1  }
0x17: {  	s4 =	simm.s32 $0x1BF5;
	[smem:$0x3FBB] =	sst s0  }
0x18: {  	s0 =	sld [smem:$0x3F9E];
	_ =	swait.ge [sflag:s4], $0x0  }
0x19: {  	s7 =	sld [smem:$0x3F9F]  }
0x1a: {  	s8 =	sadd.s32 $0xFFFFE003, lr  }
0x1b: {  	s9 =	sadd.s32 $0xFFFFFEF7, lr;
	s5 =	simm.s32 $0xFFFFFFFF;
	p2 =	slt.u32 s8, $0xFFFFF086  }
0x1c: {  	p1 =	slt.u32 s9, $0xF7A;
	s5 =	simm.s32 @!p2 $0x0  }
0x1d: {  	s5 =	simm.s32 @p1 $0x1;
	p0 =	seq.s32 s7, s2  }
0x1e: {  	s7 =	smul.u32 @!p0 $0xF7A, s2;
	p2 =	seq.s32 @!p0 s5, $0x0  }
0x1f: {  	s9 =	smul.u32 $0xF7A, s1;
	s8 =	simm.s32 @!p0 $0x1BF5;
	p2 =	por !p2, p0  }
0x20: {  	[sflag:s8] =	ssyncset.s32 @!p0 $0xFFFFF086;
	s6 =	sadd.s32 @!p0 s3, s7;
	s7 =	simm.s32 @!p0 $0x108  }
0x21: {  	s3 =	sadd.s32 s3, s9;
	s6 =	sadd.s32 @!p0 $0x88, s6;
	s7 =	simm.s32 @p2 $0x1082  }
0x22: {  	[simem:s7], [sflag:s8] =	dma.local @!p0 [hbm:s6], $0xF7A  }
0x23: {  	s9 =	sor.u32 $0xD0000000, s2;
	s6 =	simm.s32 $0x108;
	_ =	swait.ge @!p0 [sflag:s8], $0x0  }
0x24: {  	s3 =	sadd.s32 $0x88, s3;
	s6 =	simm.s32 @!p1 $0x1082;
	[sflag:s4] =	ssyncset.s32 $0xFFFFF086  }
0x25: {  	[simem:s6], [sflag:s4] =	dma.local [hbm:s3], $0xF7A  }
0x26: {  	[smem:$0x3F9F] =	sst s1;
	(tag) =	ssettag s2;
	_ =	strace s9  }
0x27: {  	s1 =	sld [smem:$0x3FAF]  }
0x28: {  	s2 =	sld [smem:$0x3FB0]  }
0x29: {  	s4 =	sld [smem:$0x3FB2]  }
0x2a: {  	p0 =	seq.s32 s5, $0x0;
	s5 =	sld [smem:$0x3FB3]  }
0x2b: {  	s6 =	sld [smem:$0x3FB4]  }
0x2c: {  	s7 =	sld [smem:$0x3FB5]  }
0x2d: {  	s3 =	simm.s32 $0x108;
	s8 =	sld [smem:$0x3FB6]  }
0x2e: {  	s3 =	simm.s32 @!p0 $0x1082;
	s9 =	sld [smem:$0x3FB7]  }
0x2f: {  	lr =	sadd.s32 s0, s3;
	s0 =	sld [smem:$0x3FAE]  }
0x30: {  	s3 =	sld [smem:$0x3FB1]  }
0x31: {  	[smem:$0x3FBA] =	sst s10  }
0x32: {  	s10 =	sld [smem:$0x3FB8];
	_ =	sdelay $0x3  }
0x33: {  	p0 =	seq.s32 s10, $0x1;
	s10 =	sld [smem:$0x3FBA];
	_ =	sdelay $0x3  }
0x34: {  	[smem:$0x3FBA] =	sst s10  }
0x35: {  	s10 =	sld [smem:$0x3FB9];
	_ =	sdelay $0x3  }
0x36: {  	p1 =	seq.s32 s10, $0x1;
	s10 =	sld [smem:$0x3FBA];
	_ =	sdelay $0x3  }
0x37: {  	[smem:$0x3FBA] =	sst s10  }
0x38: {  	s10 =	sld [smem:$0x3FBB]  }
0x39: {  	_ = 	snop;
	(pc) =	sbr.ind lr, $3  }
0x3a: {  	_ = 	snop  }
0x3b: {  	_ = 	snop  }
0x3c: {  	p2 =	seq.s32 s10, $0x1;
	s10 =	sld [smem:$0x3FBA]  }
0x3d: {  	_ =	shalt  }
0x3e: {  	_ =	shalt  }
0x3f: {  	_ =	shalt  }
0x40: {  	_ =	shalt  }
0x41: {  	_ =	shalt  }
0x42: {  	_ =	shalt  }
0x43: {  	_ =	shalt  }
0x44: {  	_ =	shalt  }
0x45: {  	_ =	shalt  }
0x46: {  	_ =	shalt  }
0x47: {  	_ =	shalt  }
0x48: {  	_ =	shalt  }
0x49: {  	_ =	shalt  }
0x4a: {  	_ =	shalt  }
0x4b: {  	_ =	shalt  }
0x4c: {  	_ =	shalt  }
0x4d: {  	_ =	shalt  }
0x4e: {  	_ =	shalt  }
0x4f: {  	_ =	shalt  }
0x50: {  	_ =	shalt  }
0x51: {  	_ =	shalt  }
0x52: {  	_ =	shalt  }
0x53: {  	_ =	shalt  }
0x54: {  	_ =	shalt  }
0x55: {  	_ =	shalt  }
0x56: {  	_ =	shalt  }
0x57: {  	_ =	shalt  }
0x58: {  	_ =	shalt  }
0x59: {  	_ =	shalt  }
0x5a: {  	_ =	shalt  }
0x5b: {  	_ =	shalt  }
0x5c: {  	_ =	shalt  }
0x5d: {  	_ =	shalt  }
0x5e: {  	_ =	shalt  }
0x5f: {  	_ =	shalt  }
0x60: {  	_ =	shalt  }
0x61: {  	_ =	shalt  }
0x62: {  	_ =	shalt  }
0x63: {  	_ =	shalt  }
0x64: {  	_ =	shalt  }
0x65: {  	_ =	shalt  }
0x66: {  	_ =	shalt  }
0x67: {  	_ =	shalt  }
0x68: {  	_ =	shalt  }
0x69: {  	_ =	shalt  }
0x6a: {  	_ =	shalt  }
0x6b: {  	_ =	shalt  }
0x6c: {  	_ =	shalt  }
0x6d: {  	_ =	shalt  }
0x6e: {  	_ =	shalt  }
0x6f: {  	_ =	shalt  }
0x70: {  	_ =	shalt  }
0x71: {  	_ =	shalt  }
0x72: {  	_ =	shalt  }
0x73: {  	_ =	shalt  }
0x74: {  	_ =	shalt  }
0x75: {  	_ =	shalt  }
0x76: {  	_ =	shalt  }
0x77: {  	_ =	shalt  }
0x78: {  	_ =	shalt  }
0x79: {  	_ =	shalt  }
0x7a: {  	_ =	shalt  }
0x7b: {  	_ =	shalt  }
0x7c: {  	_ =	shalt  }
0x7d: {  	_ =	shalt  }
0x7e: {  	_ =	shalt  }
0x7f: {  	_ =	shalt  }
0x80: {  	_ =	shalt  }
0x81: {  	_ =	shalt  }
0x82: {  	_ =	shalt  }
0x83: {  	_ =	shalt  }
0x84: {  	_ =	shalt  }
0x85: {  	_ =	shalt  }
0x86: {  	_ =	shalt  }
0x87: {  	_ =	shalt  }
.Lfunc_end0:
.L_simem_size_0:
called_computation_lowered:
.L_overlay_start_0:
0x88: {  	s2 =	sld [smem:$0x3FD9]  }
0x89: {  	s3 =	sld [smem:$0x3FFE];
	_ =	sdelay $0x1  }
0x8a: {  	s1 =	srdreg.scid  }
0x8b: {  	s0 =	sand.u32 $0x1, s1  }
0x8c: {  	s17 =	sshll.u32 s0, $0xA;
	s2 =	sadd.s32 s3, s2  }
0x8d: {  	s2 =	sadd.s32 s2, s17  }
0x8e: {  	[smem:$0x3FC6] =	sst s2  }
0x8f: {  	_ = 	snop  }
0x90: {  	s2 =	sld [smem:$0x3FC8]  }
0x91: {  	s18 =	sld [smem:$0x3FD0];
	(tm) =	ssettm $0x1  }
0x92: {  	s4 =	sld [smem:$0x3FFB];
	_ =	sdelay $0x3  }
0x93: {  	_ =	strace s4  }
0x94: {  	s4 =	sld [smem:$0x3FFC];
	_ =	sdelay $0x3  }
0x95: {  	_ =	strace s4  }
0x96: {  	s4 =	sld [smem:$0x3FFD];
	_ =	sdelay $0x3  }
0x97: {  	_ =	strace s4  }
0x98: {  	_ =	strace $0x8FFFFFFF  }
0x99: {  	s19 =	sld [smem:$0x3FDB];
	_ =	sdelay $0x1  }
0x9a: {  	s5 =	simm.s32 $_scs_section_size  }
0x9b: {  	s6 =	simm.s32 $_size__tile_overlayer_lowered;
	s7 =	simm.s32 $_tile_overlayer_lowered  }
0x9c: {  	s22 =	simm.s32 $0x1BFF;
	s21 =	sshll.u32 s7, $0x1;
	s4 =	sadd.s32 s5, s19  }
0x9d: {  	s8 =	simm.s32 $0x0;
	s20 =	sshll.u32 s6, $0x1;
	s6 =	sadd.s32 s21, s4  }
0x9e: {  	[timem:s8], [sflag:s22] =	dma.local [hbm:s6], s20  }
0x9f: {  	_ =	swait.ge [sflag:s22], s20  }
0xa0: {  	s5 =	ssub.s32 $0x0, s20;
	[sflag:s22] =	ssyncset.done $0x0  }
0xa1: {  	[sflag:s22] =	ssyncadd.s32 s5;
	_ =	sdelay $0x1  }
0xa2: {  	s23 =	simm.s32 $0x1B8B  }
0xa3: {  	_ =	swait.ge [sflag:s23], $0x1  }
0xa4: {  	[sflag:s23] =	ssyncset.done $0x0  }
0xa5: {  	s25 =	simm.s32 $0x1B8E;
	s24 =	sld [smem:$0x3FFE];
	[sflag:s23] =	ssyncadd.s32 $0xFFFFFFFF  }
0xa6: {  	s26 =	simm.s32 $execute0_lowered;
	[smem:$0x3FD2] =	sst s25  }
0xa7: {  	s6 =	sshll.u32 s26, $0x1;
	_ =	strace $0x80000046;
	[dreg:$0x1] =	wrdreg $0xFFFFFFFF  }
0xa8: {  	s28 =	simm.s32 $_size_execute0_lowered;
	s4 =	sadd.s32 s4, s6;
	[dreg:$0x0] =	wrdreg $0x0  }
0xa9: {  	s6 =	sshll.u32 s28, $0x1;
	[dreg:$0x2] =	wrdreg s4  }
0xaa: {  	[dreg:$0x3] =	wrdreg s6  }
0xab: {  	[dreg:$0x4] =	wrdreg $0xC0  }
0xac: {  	_ =	task [dreg:s8], $0x5FFFF  }
0xad: {  	[dreg:$0x1] =	wrdreg $0xFFFFFFFF  }
0xae: {  	[dreg:$0x0] =	wrdreg $0x60  }
0xaf: {  	[dreg:$0x2] =	wrdreg s24  }
0xb0: {  	[dreg:$0x3] =	wrdreg s2  }
0xb1: {  	[dreg:$0x4] =	wrdreg s18  }
0xb2: {  	[dreg:$0x5] =	wrdreg $0x9  }
0xb3: {  	_ =	task.clear_ibuf [dreg:s8], $0x6FFFF;
	_ =	strace $0x90000046  }
0xb4: {  	s29 =	simm.s32 $0x9;
	_ =	strace $0x80000048  }
0xb5: {  	_ =	swait.ge [sflag:s29], $0x1  }
0xb6: {  	[sflag:s29] =	ssyncadd.s32 $0xFFFFFFFF  }
0xb7: {  	_ =	strace $0x90000048  }
0xb8: {  	_ =	sfence  }
0xb9: {  	s30 =	sld [smem:$0x0];
	_ =	sdelay $0x2  }
0xba: {  	s31 =	sshll.u32 s1, $0xD;
	s1 =	sshrl.u32 s1, $0x2  }
0xbb: {  	s3 =	sand.u32 $0x4000, s31;
	s1 =	sadd.s32 s1, s30  }
0xbc: {  	s0 =	sor.u32 s3, s0;
	s1 =	sshll.u32 s1, $0x11  }
0xbd: {  	s0 =	sor.u32 s1, s0  }
0xbe: {  	s0 =	sadd.s32 $0x8F2B, s0  }
0xbf: {  	[sflag:s0] =	ssyncadd.remote.s32 $0x1  }
0xc0: {  	_ =	sfence.sel $0xFFFF  }
0xc1: {  	[dreg:$0x0] =	wrdreg $0xFFFFFFFF;
	(pc) =	sbr.abs _section_cstart, $3  }
0xc2: {  	[dreg:$0x1] =	wrdreg $0xFFFFFFFF  }
0xc3: {  	_ =	task.clear_ibuf [dreg:s8], $0x2FFFF;
	_ =	strace $0x9FFFFFFF  }
0xc4: {  	(tm) =	ssettm $0x7FFFFFFF  }
0xc5: {  	_ =	shalt  }
tec
execute0_lowered:
.L_overlay_start_1:
0x0: {  	(tag) =	ssettag $0x1  }
0x1: {  	s4 =	rddreg [dreg:$0x0]  }
0x2: {  	s1 =	rddreg [dreg:$0x1]  }
0x3: {  	s5 =	rddreg [dreg:$0x2]  }
0x4: {  	s0 =	rddreg [dreg:$0x3];
	s3 =	simm.s32 $0x0;
	s6 =	srdreg.scid  }
0x5: {  	s2 =	stileid.u32;
	s11 =	simm.s32 $0x8200;
	s12 =	simm.s32 $0x6  }
0x6: {  	s13 =	simm.s32 $0x40;
	s14 =	simm.s32 $0x200;
	s15 =	simm.s32 $0x80  }
0x7: {  	s16 =	simm.s32 $0x2200;
	s17 =	simm.s32 $0x100;
	s18 =	simm.s32 $0x4200  }
0x8: {  	s19 =	simm.s32 $0x180;
	s20 =	simm.s32 $0x6200;
	s21 =	simm.s32 $0x1  }
0x9: {  	s22 =	simm.s32 $0x2;
	s23 =	simm.s32 $0x3;
	s24 =	simm.s32 $0x4  }
0xa: {  	s25 =	simm.s32 $0x5;
	s26 =	simm.s32 $0x0;
	[smem:$0x7FF] =	sst s3  }
0xb: {  	s6 =	sand.u32 $0x1, s6;
	s7 =	sshll.u32 s2, $0x1;
	s9 =	sshll.u32 s2, $0xD  }
0xc: {  	_ =	strace $0x80000047;
	s7 =	sor.u32 s6, s7;
	s6 =	ssub.s32 $0x2, s6  }
0xd: {  	s9 =	sand.u32 $0x18000, s9;
	s8 =	sshll.u32 s7, $0x6;
	s7 =	sshll.u32 s7, $0xC  }
0xe: {  	s10 =	sshrl.u32 s6, $0x1;
	s7 =	sand.u32 $0x7000, s7;
	s8 =	sadd.s32 s8, s4  }
0xf: {  	s4 =	sadd.s32 $0xC00, s4;
	s10 =	ssub.s32 s6, s10;
	s7 =	sor.u32 s9, s7  }
0x10: {  	s6 =	sadd.s32 $0x400, s8;
	s10 =	smax.u32 s10, $0x1;
	s5 =	sadd.s32 s5, s7  }
0x11: {  	s7 =	sadd.s32 $0x400, s5;
	s8 =	sadd.s32 $0x800, s5;
	s9 =	sadd.s32 $0xC00, s5  }
.LBB2_1:
0x12: {  	[tilespmem:s11], [sflag:$0x6] =	stream.linear.gather [hbm4b:s4+s3], $0x1, $0x38;
	[tilespmem:$0x8280] =	vst v63  }
0x13: {  	_ =	swait.ge [sflag:s12], $0x1  }
0x14: {  	[sflag:s12] =	ssyncset.done $0x0  }
0x15: {  	[sflag:s12] =	ssyncadd.s32 $0xFFFFFFFF  }
0x16: {  	v0 =	vld.msk [tilespmem:$0x8200 ss:$0x0], $0xffff;
	[tilespmem:s3], [sflag:$0x6] =	stream.linear.gather [hbm4b:s6+s3], $0x200, $0x38  }
0x17: {  	_ =	swait.ge [sflag:s12], $0x200  }
0x18: {  	[sflag:s12] =	ssyncset.done $0x0  }
0x19: {  	[sflag:s12] =	ssyncadd.s32 $0xFFFFFE00  }
0x1a: {  	[tilespmem:s14], [sflag:$0x1] =	stream.indirect.gather [hbm4b:s1+s13], $0x80, s3, s13, $0xb8;
	[tilespmem:$0x8280] =	vst v63  }
0x1b: {  	_ = 	snop  }
0x1c: {  	[tilespmem:s16], [sflag:$0x2] =	stream.indirect.gather [hbm4b:s1+s13], $0x80, s15, s13, $0xb8;
	[tilespmem:$0x8280] =	vst v63  }
0x1d: {  	_ = 	snop  }
0x1e: {  	[tilespmem:s18], [sflag:$0x3] =	stream.indirect.gather [hbm4b:s1+s13], $0x80, s17, s13, $0xb8;
	[tilespmem:$0x8280] =	vst v63  }
0x1f: {  	_ = 	snop  }
0x20: {  	[tilespmem:s20], [sflag:$0x4] =	stream.indirect.gather [hbm4b:s1+s13], $0x80, s19, s13, $0xb8;
	[tilespmem:$0x8280] =	vst v63  }
0x21: {  	_ =	swait.ge [sflag:s21], $0x2000  }
0x22: {  	[sflag:s21] =	ssyncset.done $0x0  }
0x23: {  	s28 =	simm.s32 $0x280;
	[sflag:s21] =	ssyncadd.s32 $0xFFFFE000  }
0x24: {  	v1 =	vld [tilespmem:s28+$0x70]  }
0x25: {  	v2 =	vld [tilespmem:s28+$0xFFFFFF90]  }
0x26: {  	v3 =	vld [tilespmem:s28+$0xFFFFFFA0]  }
0x27: {  	v4 =	vld [tilespmem:s28+$0xFFFFFFB0]  }
0x28: {  	v5 =	vld [tilespmem:s28+$0xFFFFFFC0]  }
0x29: {  	v6 =	vld [tilespmem:s28+$0xFFFFFFD0];
	v1 =	vmul.f32 v1, v0  }
0x2a: {  	v7 =	vld [tilespmem:s28+$0xFFFFFFE0];
	v2 =	vmul.f32 v2, v0  }
0x2b: {  	v8 =	vld [tilespmem:s28+$0xFFFFFFF0];
	v3 =	vmul.f32 v3, v0;
	[tilespmem:s28+$0x70] =	vst v1  }
0x2c: {  	[tilespmem:s28+$0xFFFFFF90] =	vst v2;
	v1 =	vmul.f32 v4, v0;
	v4 =	vld [tilespmem:s28+$0x0]  }
0x2d: {  	[tilespmem:s28+$0xFFFFFFA0] =	vst v3;
	v2 =	vmul.f32 v5, v0;
	v5 =	vld [tilespmem:s28+$0x10]  }
0x2e: {  	v9 =	vld [tilespmem:s28+$0x20];
	v3 =	vmul.f32 v6, v0;
	[tilespmem:s28+$0xFFFFFFB0] =	vst v1  }
0x2f: {  	v6 =	vmul.f32 v7, v0;
	[tilespmem:s28+$0xFFFFFFC0] =	vst v2;
	v1 =	vld [tilespmem:s28+$0x30]  }
0x30: {  	v7 =	vmul.f32 v8, v0;
	[tilespmem:s28+$0xFFFFFFD0] =	vst v3;
	v2 =	vld [tilespmem:s28+$0x40]  }
0x31: {  	[tilespmem:s28+$0xFFFFFFE0] =	vst v6;
	v3 =	vld [tilespmem:s28+$0x50];
	v8 =	vmul.f32 v4, v0  }
0x32: {  	[tilespmem:s28+$0xFFFFFFF0] =	vst v7;
	v4 =	vld [tilespmem:s28+$0x60];
	v6 =	vmul.f32 v5, v0  }
0x33: {  	s29 =	simm.s32 $0x0;
	s30 =	simm.s32 $0x380;
	v7 =	vmul.f32 v9, v0;
	v5 =	vld [tilespmem:s28+$0xFFFFFF80];
	[tilespmem:s28+$0x0] =	vst v8  }
.LBB2_2:
0x34: {  	v8 =	vld [tilespmem:s30+$0x70];
	s29 =	sadd.s32 $0x2, s29;
	[tilespmem:s28+$0x10] =	vst v6;
	v1 =	vmul.f32 v1, v0  }
0x35: {  	v6 =	vld [tilespmem:s30+$0xFFFFFF90];
	p0 =	slt.u32 s29, $0x3E;
	[tilespmem:s28+$0x20] =	vst v7;
	v2 =	vmul.f32 v2, v0  }
0x36: {  	v7 =	vld [tilespmem:s30+$0xFFFFFFA0];
	[tilespmem:s28+$0x30] =	vst v1;
	v1 =	vmul.f32 v3, v0  }
0x37: {  	v3 =	vld [tilespmem:s30+$0xFFFFFFB0];
	[tilespmem:s28+$0x40] =	vst v2;
	v2 =	vmul.f32 v4, v0  }
0x38: {  	v4 =	vld [tilespmem:s30+$0xFFFFFFC0];
	v5 =	vmul.f32 v5, v0;
	[tilespmem:s28+$0x50] =	vst v1  }
0x39: {  	v1 =	vld [tilespmem:s30+$0xFFFFFFD0];
	v8 =	vmul.f32 v8, v0;
	[tilespmem:s28+$0x60] =	vst v2  }
0x3a: {  	v2 =	vmul.f32 v6, v0;
	v6 =	vld [tilespmem:s30+$0xFFFFFFE0];
	[tilespmem:s28+$0xFFFFFF80] =	vst v5;
	s28 =	smov.u32 s30  }
0x3b: {  	v5 =	vmul.f32 v7, v0;
	v7 =	vld [tilespmem:s30+$0xFFFFFFF0];
	[tilespmem:s30+$0x70] =	vst v8  }
0x3c: {  	[tilespmem:s30+$0xFFFFFF90] =	vst v2;
	v2 =	vmul.f32 v3, v0;
	v3 =	vld [tilespmem:s30+$0x0]  }
0x3d: {  	[tilespmem:s30+$0xFFFFFFA0] =	vst v5;
	v4 =	vmul.f32 v4, v0;
	v5 =	vld [tilespmem:s30+$0x10]  }
0x3e: {  	[tilespmem:s30+$0xFFFFFFB0] =	vst v2;
	v2 =	vmul.f32 v1, v0;
	v8 =	vld [tilespmem:s30+$0x20]  }
.Ltmp0:
0x3f: {  	[tilespmem:s30+$0xFFFFFFC0] =	vst v4;
	v4 =	vmul.f32 v6, v0;
	v1 =	vld [tilespmem:s30+$0x30];
	(pc) =	sbr.rel @p0 .LBB2_2-.Ltmp0, $4  }
0x40: {  	[tilespmem:s30+$0xFFFFFFD0] =	vst v2;
	v6 =	vmul.f32 v7, v0;
	v2 =	vld [tilespmem:s30+$0x40]  }
0x41: {  	[tilespmem:s30+$0xFFFFFFE0] =	vst v4;
	v7 =	vmul.f32 v3, v0;
	v3 =	vld [tilespmem:s30+$0x50]  }
0x42: {  	[tilespmem:s30+$0xFFFFFFF0] =	vst v6;
	v6 =	vmul.f32 v5, v0;
	v4 =	vld [tilespmem:s30+$0x60]  }
0x43: {  	s30 =	sadd.s32 $0x100, s30;
	v5 =	vld [tilespmem:s28+$0xFFFFFF80];
	[tilespmem:s28+$0x0] =	vst v7;
	v7 =	vmul.f32 v8, v0  }
0x44: {  	[tilespmem:s28+$0x10] =	vst v6;
	v1 =	vmul.f32 v1, v0  }
0x45: {  	[tilespmem:s28+$0x20] =	vst v7;
	v2 =	vmul.f32 v2, v0  }
0x46: {  	[tilespmem:s28+$0x30] =	vst v1;
	v1 =	vmul.f32 v3, v0  }
0x47: {  	[tilespmem:s28+$0x40] =	vst v2;
	v2 =	vmul.f32 v4, v0  }
0x48: {  	v3 =	vmul.f32 v5, v0;
	[tilespmem:s28+$0x50] =	vst v1  }
0x49: {  	[tilespmem:s28+$0x60] =	vst v2  }
0x4a: {  	[tilespmem:s28+$0xFFFFFF80] =	vst v3  }
0x4b: {  	[hbm4b:s5+s3] =	stream.linear.scatter [tilespmem:s14], [sflag:$0x5], $0x2000, $0x38;
	[tilespmem:$0x8280] =	vst v63  }
0x4c: {  	_ =	swait.ge [sflag:s22], $0x2000  }
0x4d: {  	[sflag:s22] =	ssyncset.done $0x0  }
0x4e: {  	s28 =	simm.s32 $0x22F0;
	[sflag:s22] =	ssyncadd.s32 $0xFFFFE000  }
0x4f: {  	v1 =	vld [tilespmem:s28+$0x0]  }
0x50: {  	v2 =	vld [tilespmem:s28+$0xFFFFFF20]  }
0x51: {  	v3 =	vld [tilespmem:s28+$0xFFFFFF30]  }
0x52: {  	v4 =	vld [tilespmem:s28+$0xFFFFFF40]  }
0x53: {  	v5 =	vld [tilespmem:s28+$0xFFFFFF50]  }
0x54: {  	v6 =	vld [tilespmem:s28+$0xFFFFFF60];
	v1 =	vmul.f32 v1, v0  }
0x55: {  	v7 =	vld [tilespmem:s28+$0xFFFFFF70];
	v2 =	vmul.f32 v2, v0  }
0x56: {  	v8 =	vld [tilespmem:s28+$0xFFFFFF80];
	v3 =	vmul.f32 v3, v0;
	[tilespmem:s28+$0x0] =	vst v1  }
0x57: {  	[tilespmem:s28+$0xFFFFFF20] =	vst v2;
	v1 =	vmul.f32 v4, v0;
	v4 =	vld [tilespmem:s28+$0xFFFFFF90]  }
0x58: {  	[tilespmem:s28+$0xFFFFFF30] =	vst v3;
	v2 =	vmul.f32 v5, v0;
	v5 =	vld [tilespmem:s28+$0xFFFFFFA0]  }
0x59: {  	v9 =	vld [tilespmem:s28+$0xFFFFFFB0];
	v3 =	vmul.f32 v6, v0;
	[tilespmem:s28+$0xFFFFFF40] =	vst v1  }
0x5a: {  	v6 =	vmul.f32 v7, v0;
	[tilespmem:s28+$0xFFFFFF50] =	vst v2;
	v1 =	vld [tilespmem:s28+$0xFFFFFFC0]  }
0x5b: {  	v7 =	vmul.f32 v8, v0;
	[tilespmem:s28+$0xFFFFFF60] =	vst v3;
	v2 =	vld [tilespmem:s28+$0xFFFFFFD0]  }
0x5c: {  	[tilespmem:s28+$0xFFFFFF70] =	vst v6;
	v3 =	vld [tilespmem:s28+$0xFFFFFFE0];
	v8 =	vmul.f32 v4, v0  }
0x5d: {  	[tilespmem:s28+$0xFFFFFF80] =	vst v7;
	v4 =	vld [tilespmem:s28+$0xFFFFFFF0];
	v6 =	vmul.f32 v5, v0  }
0x5e: {  	s29 =	simm.s32 $0x40;
	s30 =	simm.s32 $0x23F0;
	v7 =	vmul.f32 v9, v0;
	v5 =	vld [tilespmem:s28+$0xFFFFFF10];
	[tilespmem:s28+$0xFFFFFF90] =	vst v8  }
.LBB2_4:
0x5f: {  	v8 =	vld [tilespmem:s30+$0x0];
	s29 =	sadd.s32 $0x2, s29;
	[tilespmem:s28+$0xFFFFFFA0] =	vst v6;
	v1 =	vmul.f32 v1, v0  }
0x60: {  	v6 =	vld [tilespmem:s30+$0xFFFFFF20];
	p0 =	slt.u32 s29, $0x7E;
	[tilespmem:s28+$0xFFFFFFB0] =	vst v7;
	v2 =	vmul.f32 v2, v0  }
0x61: {  	v7 =	vld [tilespmem:s30+$0xFFFFFF30];
	[tilespmem:s28+$0xFFFFFFC0] =	vst v1;
	v1 =	vmul.f32 v3, v0  }
0x62: {  	v3 =	vld [tilespmem:s30+$0xFFFFFF40];
	[tilespmem:s28+$0xFFFFFFD0] =	vst v2;
	v2 =	vmul.f32 v4, v0  }
0x63: {  	v4 =	vld [tilespmem:s30+$0xFFFFFF50];
	v5 =	vmul.f32 v5, v0;
	[tilespmem:s28+$0xFFFFFFE0] =	vst v1  }
0x64: {  	v1 =	vld [tilespmem:s30+$0xFFFFFF60];
	v8 =	vmul.f32 v8, v0;
	[tilespmem:s28+$0xFFFFFFF0] =	vst v2  }
0x65: {  	v2 =	vmul.f32 v6, v0;
	v6 =	vld [tilespmem:s30+$0xFFFFFF70];
	[tilespmem:s28+$0xFFFFFF10] =	vst v5;
	s28 =	smov.u32 s30  }
0x66: {  	v5 =	vmul.f32 v7, v0;
	v7 =	vld [tilespmem:s30+$0xFFFFFF80];
	[tilespmem:s30+$0x0] =	vst v8  }
0x67: {  	[tilespmem:s30+$0xFFFFFF20] =	vst v2;
	v2 =	vmul.f32 v3, v0;
	v3 =	vld [tilespmem:s30+$0xFFFFFF90]  }
0x68: {  	[tilespmem:s30+$0xFFFFFF30] =	vst v5;
	v4 =	vmul.f32 v4, v0;
	v5 =	vld [tilespmem:s30+$0xFFFFFFA0]  }
0x69: {  	[tilespmem:s30+$0xFFFFFF40] =	vst v2;
	v2 =	vmul.f32 v1, v0;
	v8 =	vld [tilespmem:s30+$0xFFFFFFB0]  }
.Ltmp1:
0x6a: {  	[tilespmem:s30+$0xFFFFFF50] =	vst v4;
	v4 =	vmul.f32 v6, v0;
	v1 =	vld [tilespmem:s30+$0xFFFFFFC0];
	(pc) =	sbr.rel @p0 .LBB2_4-.Ltmp1, $4  }
0x6b: {  	[tilespmem:s30+$0xFFFFFF60] =	vst v2;
	v6 =	vmul.f32 v7, v0;
	v2 =	vld [tilespmem:s30+$0xFFFFFFD0]  }
0x6c: {  	[tilespmem:s30+$0xFFFFFF70] =	vst v4;
	v7 =	vmul.f32 v3, v0;
	v3 =	vld [tilespmem:s30+$0xFFFFFFE0]  }
0x6d: {  	[tilespmem:s30+$0xFFFFFF80] =	vst v6;
	v6 =	vmul.f32 v5, v0;
	v4 =	vld [tilespmem:s30+$0xFFFFFFF0]  }
0x6e: {  	s30 =	sadd.s32 $0x100, s30;
	v5 =	vld [tilespmem:s28+$0xFFFFFF10];
	[tilespmem:s28+$0xFFFFFF90] =	vst v7;
	v7 =	vmul.f32 v8, v0  }
0x6f: {  	[tilespmem:s28+$0xFFFFFFA0] =	vst v6;
	v1 =	vmul.f32 v1, v0  }
0x70: {  	[tilespmem:s28+$0xFFFFFFB0] =	vst v7;
	v2 =	vmul.f32 v2, v0  }
0x71: {  	[tilespmem:s28+$0xFFFFFFC0] =	vst v1;
	v1 =	vmul.f32 v3, v0  }
0x72: {  	[tilespmem:s28+$0xFFFFFFD0] =	vst v2;
	v2 =	vmul.f32 v4, v0  }
0x73: {  	v3 =	vmul.f32 v5, v0;
	[tilespmem:s28+$0xFFFFFFE0] =	vst v1  }
0x74: {  	[tilespmem:s28+$0xFFFFFFF0] =	vst v2  }
0x75: {  	[tilespmem:s28+$0xFFFFFF10] =	vst v3  }
0x76: {  	[hbm4b:s7+s3] =	stream.linear.scatter [tilespmem:s16], [sflag:$0x5], $0x2000, $0x38;
	[tilespmem:$0x8280] =	vst v63  }
0x77: {  	_ =	swait.ge [sflag:s23], $0x2000  }
0x78: {  	[sflag:s23] =	ssyncset.done $0x0  }
0x79: {  	s28 =	simm.s32 $0x4200;
	[sflag:s23] =	ssyncadd.s32 $0xFFFFE000  }
0x7a: {  	v1 =	vld [tilespmem:s28+$0xF0]  }
0x7b: {  	v2 =	vld [tilespmem:s28+$0x10]  }
0x7c: {  	v3 =	vld [tilespmem:s28+$0x20]  }
0x7d: {  	v4 =	vld [tilespmem:s28+$0x30]  }
0x7e: {  	v5 =	vld [tilespmem:s28+$0x40]  }
0x7f: {  	v6 =	vld [tilespmem:s28+$0x50];
	v1 =	vmul.f32 v1, v0  }
0x80: {  	v7 =	vld [tilespmem:s28+$0x60];
	v2 =	vmul.f32 v2, v0  }
0x81: {  	v8 =	vld [tilespmem:s28+$0x70];
	v3 =	vmul.f32 v3, v0;
	[tilespmem:s28+$0xF0] =	vst v1  }
0x82: {  	[tilespmem:s28+$0x10] =	vst v2;
	v1 =	vmul.f32 v4, v0;
	v4 =	vld [tilespmem:s28+$0x80]  }
0x83: {  	[tilespmem:s28+$0x20] =	vst v3;
	v2 =	vmul.f32 v5, v0;
	v5 =	vld [tilespmem:s28+$0x90]  }
0x84: {  	v9 =	vld [tilespmem:s28+$0xA0];
	v3 =	vmul.f32 v6, v0;
	[tilespmem:s28+$0x30] =	vst v1  }
0x85: {  	v6 =	vmul.f32 v7, v0;
	[tilespmem:s28+$0x40] =	vst v2;
	v1 =	vld [tilespmem:s28+$0xB0]  }
0x86: {  	v7 =	vmul.f32 v8, v0;
	[tilespmem:s28+$0x50] =	vst v3;
	v2 =	vld [tilespmem:s28+$0xC0]  }
0x87: {  	[tilespmem:s28+$0x60] =	vst v6;
	v3 =	vld [tilespmem:s28+$0xD0];
	v8 =	vmul.f32 v4, v0  }
0x88: {  	[tilespmem:s28+$0x70] =	vst v7;
	v4 =	vld [tilespmem:s28+$0xE0];
	v6 =	vmul.f32 v5, v0  }
0x89: {  	s29 =	simm.s32 $0x80;
	s30 =	simm.s32 $0x4300;
	v7 =	vmul.f32 v9, v0;
	v5 =	vld [tilespmem:s28+$0x0];
	[tilespmem:s28+$0x80] =	vst v8  }
.LBB2_6:
0x8a: {  	v8 =	vld [tilespmem:s30+$0xF0];
	s29 =	sadd.s32 $0x2, s29;
	[tilespmem:s28+$0x90] =	vst v6;
	v1 =	vmul.f32 v1, v0  }
0x8b: {  	v6 =	vld [tilespmem:s30+$0x10];
	p0 =	slt.u32 s29, $0xBE;
	[tilespmem:s28+$0xA0] =	vst v7;
	v2 =	vmul.f32 v2, v0  }
0x8c: {  	v7 =	vld [tilespmem:s30+$0x20];
	[tilespmem:s28+$0xB0] =	vst v1;
	v1 =	vmul.f32 v3, v0  }
0x8d: {  	v3 =	vld [tilespmem:s30+$0x30];
	[tilespmem:s28+$0xC0] =	vst v2;
	v2 =	vmul.f32 v4, v0  }
0x8e: {  	v4 =	vld [tilespmem:s30+$0x40];
	v5 =	vmul.f32 v5, v0;
	[tilespmem:s28+$0xD0] =	vst v1  }
0x8f: {  	v1 =	vld [tilespmem:s30+$0x50];
	v8 =	vmul.f32 v8, v0;
	[tilespmem:s28+$0xE0] =	vst v2  }
0x90: {  	v2 =	vmul.f32 v6, v0;
	v6 =	vld [tilespmem:s30+$0x60];
	[tilespmem:s28+$0x0] =	vst v5;
	s28 =	smov.u32 s30  }
0x91: {  	v5 =	vmul.f32 v7, v0;
	v7 =	vld [tilespmem:s30+$0x70];
	[tilespmem:s30+$0xF0] =	vst v8  }
0x92: {  	[tilespmem:s30+$0x10] =	vst v2;
	v2 =	vmul.f32 v3, v0;
	v3 =	vld [tilespmem:s30+$0x80]  }
0x93: {  	[tilespmem:s30+$0x20] =	vst v5;
	v4 =	vmul.f32 v4, v0;
	v5 =	vld [tilespmem:s30+$0x90]  }
0x94: {  	[tilespmem:s30+$0x30] =	vst v2;
	v2 =	vmul.f32 v1, v0;
	v8 =	vld [tilespmem:s30+$0xA0]  }
.Ltmp2:
0x95: {  	[tilespmem:s30+$0x40] =	vst v4;
	v4 =	vmul.f32 v6, v0;
	v1 =	vld [tilespmem:s30+$0xB0];
	(pc) =	sbr.rel @p0 .LBB2_6-.Ltmp2, $4  }
0x96: {  	[tilespmem:s30+$0x50] =	vst v2;
	v6 =	vmul.f32 v7, v0;
	v2 =	vld [tilespmem:s30+$0xC0]  }
0x97: {  	[tilespmem:s30+$0x60] =	vst v4;
	v7 =	vmul.f32 v3, v0;
	v3 =	vld [tilespmem:s30+$0xD0]  }
0x98: {  	[tilespmem:s30+$0x70] =	vst v6;
	v6 =	vmul.f32 v5, v0;
	v4 =	vld [tilespmem:s30+$0xE0]  }
0x99: {  	s30 =	sadd.s32 $0x100, s30;
	v5 =	vld [tilespmem:s28+$0x0];
	[tilespmem:s28+$0x80] =	vst v7;
	v7 =	vmul.f32 v8, v0  }
0x9a: {  	[tilespmem:s28+$0x90] =	vst v6;
	v1 =	vmul.f32 v1, v0  }
0x9b: {  	[tilespmem:s28+$0xA0] =	vst v7;
	v2 =	vmul.f32 v2, v0  }
0x9c: {  	[tilespmem:s28+$0xB0] =	vst v1;
	v1 =	vmul.f32 v3, v0  }
0x9d: {  	[tilespmem:s28+$0xC0] =	vst v2;
	v2 =	vmul.f32 v4, v0  }
0x9e: {  	v3 =	vmul.f32 v5, v0;
	[tilespmem:s28+$0xD0] =	vst v1  }
0x9f: {  	[tilespmem:s28+$0xE0] =	vst v2  }
0xa0: {  	[tilespmem:s28+$0x0] =	vst v3  }
0xa1: {  	[hbm4b:s8+s3] =	stream.linear.scatter [tilespmem:s18], [sflag:$0x5], $0x2000, $0x38;
	[tilespmem:$0x8280] =	vst v63  }
0xa2: {  	_ =	swait.ge [sflag:s24], $0x2000  }
0xa3: {  	[sflag:s24] =	ssyncset.done $0x0  }
0xa4: {  	s28 =	simm.s32 $0x6200;
	[sflag:s24] =	ssyncadd.s32 $0xFFFFE000  }
0xa5: {  	v1 =	vld [tilespmem:s28+$0xF0]  }
0xa6: {  	v2 =	vld [tilespmem:s28+$0x10]  }
0xa7: {  	v3 =	vld [tilespmem:s28+$0x20]  }
0xa8: {  	v4 =	vld [tilespmem:s28+$0x30]  }
0xa9: {  	v5 =	vld [tilespmem:s28+$0x40]  }
0xaa: {  	v6 =	vld [tilespmem:s28+$0x50];
	v1 =	vmul.f32 v1, v0  }
0xab: {  	v7 =	vld [tilespmem:s28+$0x60];
	v2 =	vmul.f32 v2, v0  }
0xac: {  	v8 =	vld [tilespmem:s28+$0x70];
	v3 =	vmul.f32 v3, v0;
	[tilespmem:s28+$0xF0] =	vst v1  }
0xad: {  	[tilespmem:s28+$0x10] =	vst v2;
	v1 =	vmul.f32 v4, v0;
	v4 =	vld [tilespmem:s28+$0x80]  }
0xae: {  	[tilespmem:s28+$0x20] =	vst v3;
	v2 =	vmul.f32 v5, v0;
	v5 =	vld [tilespmem:s28+$0x90]  }
0xaf: {  	v9 =	vld [tilespmem:s28+$0xA0];
	v3 =	vmul.f32 v6, v0;
	[tilespmem:s28+$0x30] =	vst v1  }
0xb0: {  	v6 =	vmul.f32 v7, v0;
	[tilespmem:s28+$0x40] =	vst v2;
	v1 =	vld [tilespmem:s28+$0xB0]  }
0xb1: {  	v7 =	vmul.f32 v8, v0;
	[tilespmem:s28+$0x50] =	vst v3;
	v2 =	vld [tilespmem:s28+$0xC0]  }
0xb2: {  	[tilespmem:s28+$0x60] =	vst v6;
	v3 =	vld [tilespmem:s28+$0xD0];
	v8 =	vmul.f32 v4, v0  }
0xb3: {  	[tilespmem:s28+$0x70] =	vst v7;
	v4 =	vld [tilespmem:s28+$0xE0];
	v6 =	vmul.f32 v5, v0  }
0xb4: {  	s29 =	simm.s32 $0xC0;
	s30 =	simm.s32 $0x6300;
	v7 =	vmul.f32 v9, v0;
	v5 =	vld [tilespmem:s28+$0x0];
	[tilespmem:s28+$0x80] =	vst v8  }
.LBB2_8:
0xb5: {  	v8 =	vld [tilespmem:s30+$0xF0];
	s29 =	sadd.s32 $0x2, s29;
	[tilespmem:s28+$0x90] =	vst v6;
	v1 =	vmul.f32 v1, v0  }
0xb6: {  	v6 =	vld [tilespmem:s30+$0x10];
	p0 =	slt.u32 s29, $0xFE;
	[tilespmem:s28+$0xA0] =	vst v7;
	v2 =	vmul.f32 v2, v0  }
0xb7: {  	v7 =	vld [tilespmem:s30+$0x20];
	[tilespmem:s28+$0xB0] =	vst v1;
	v1 =	vmul.f32 v3, v0  }
0xb8: {  	v3 =	vld [tilespmem:s30+$0x30];
	[tilespmem:s28+$0xC0] =	vst v2;
	v2 =	vmul.f32 v4, v0  }
0xb9: {  	v4 =	vld [tilespmem:s30+$0x40];
	v5 =	vmul.f32 v5, v0;
	[tilespmem:s28+$0xD0] =	vst v1  }
0xba: {  	v1 =	vld [tilespmem:s30+$0x50];
	v8 =	vmul.f32 v8, v0;
	[tilespmem:s28+$0xE0] =	vst v2  }
0xbb: {  	v2 =	vmul.f32 v6, v0;
	v6 =	vld [tilespmem:s30+$0x60];
	[tilespmem:s28+$0x0] =	vst v5;
	s28 =	smov.u32 s30  }
0xbc: {  	v5 =	vmul.f32 v7, v0;
	v7 =	vld [tilespmem:s30+$0x70];
	[tilespmem:s30+$0xF0] =	vst v8  }
0xbd: {  	[tilespmem:s30+$0x10] =	vst v2;
	v2 =	vmul.f32 v3, v0;
	v3 =	vld [tilespmem:s30+$0x80]  }
0xbe: {  	[tilespmem:s30+$0x20] =	vst v5;
	v4 =	vmul.f32 v4, v0;
	v5 =	vld [tilespmem:s30+$0x90]  }
0xbf: {  	[tilespmem:s30+$0x30] =	vst v2;
	v2 =	vmul.f32 v1, v0;
	v8 =	vld [tilespmem:s30+$0xA0]  }
.Ltmp3:
0xc0: {  	[tilespmem:s30+$0x40] =	vst v4;
	v4 =	vmul.f32 v6, v0;
	v1 =	vld [tilespmem:s30+$0xB0];
	(pc) =	sbr.rel @p0 .LBB2_8-.Ltmp3, $4  }
0xc1: {  	[tilespmem:s30+$0x50] =	vst v2;
	v6 =	vmul.f32 v7, v0;
	v2 =	vld [tilespmem:s30+$0xC0]  }
0xc2: {  	[tilespmem:s30+$0x60] =	vst v4;
	v7 =	vmul.f32 v3, v0;
	v3 =	vld [tilespmem:s30+$0xD0]  }
0xc3: {  	[tilespmem:s30+$0x70] =	vst v6;
	v6 =	vmul.f32 v5, v0;
	v4 =	vld [tilespmem:s30+$0xE0]  }
0xc4: {  	s30 =	sadd.s32 $0x100, s30;
	v5 =	vld [tilespmem:s28+$0x0];
	[tilespmem:s28+$0x80] =	vst v7;
	v7 =	vmul.f32 v8, v0  }
0xc5: {  	[tilespmem:s28+$0x90] =	vst v6;
	v1 =	vmul.f32 v1, v0  }
0xc6: {  	[tilespmem:s28+$0xA0] =	vst v7;
	v2 =	vmul.f32 v2, v0  }
0xc7: {  	[tilespmem:s28+$0xB0] =	vst v1;
	v61 =	vmul.f32 v3, v0  }
0xc8: {  	[tilespmem:s28+$0xC0] =	vst v2;
	v62 =	vmul.f32 v4, v0  }
0xc9: {  	v63 =	vmul.f32 v5, v0;
	[tilespmem:s28+$0xD0] =	vst v61  }
0xca: {  	[tilespmem:s28+$0xE0] =	vst v62  }
0xcb: {  	[tilespmem:s28+$0x0] =	vst v63  }
0xcc: {  	[hbm4b:s9+s3] =	stream.linear.scatter [tilespmem:s20], [sflag:$0x5], $0x2000, $0x38;
	[tilespmem:$0x8280] =	vst v63  }
0xcd: {  	_ =	swait.ge [sflag:s25], $0x2000  }
0xce: {  	[sflag:s25] =	ssyncset.done $0x0  }
0xcf: {  	[sflag:s25] =	ssyncadd.s32 $0xFFFFE000  }
0xd0: {  	_ =	swait.ge [sflag:s25], $0x2000  }
0xd1: {  	[sflag:s25] =	ssyncset.done $0x0  }
0xd2: {  	s26 =	sadd.s32 $0x1, s26;
	[sflag:s25] =	ssyncadd.s32 $0xFFFFE000  }
0xd3: {  	p0 =	sne.s32 s26, s10;
	_ =	swait.ge [sflag:s25], $0x2000  }
.Ltmp4:
0xd4: {  	[sflag:s25] =	ssyncset.done $0x0;
	(pc) =	sbr.rel @p0 .LBB2_1-.Ltmp4, $4  }
0xd5: {  	[sflag:s25] =	ssyncadd.s32 $0xFFFFE000  }
0xd6: {  	_ =	swait.ge [sflag:s25], $0x2000  }
0xd7: {  	[sflag:s25] =	ssyncset.done $0x0  }
0xd8: {  	[sflag:s25] =	ssyncadd.s32 $0xFFFFE000  }
0xd9: {  	_ =	sfence.sel $0x180000  }
0xda: {  	[bflag:$0x0] =	sbarrier.arrive $0xFFFF  }
0xdb: {  	p0 =	sne.s32 s2, $0x0;
	_ =	strace $0x90000047  }
0xdc: {  	s0 =	sadd.s32 @!p0 $0x100000, s0;
	[bflag:$0x2] =	sbarrier.arrive $0xFFFF  }
0xdd: {  	[sflag:s0] =	ssyncadd.tile.s32 @!p0 $0x1;
	_ =	shalt  }
.Lfunc_end2:
_tile_overlayer_lowered:
.L_overlay_start_2:
0xde: {  	(tag) =	ssettag $0x2  }
0xdf: {  	s0 =	rddreg [dreg:$0x0];
	s2 =	stileid.u32  }
0xe0: {  	s1 =	rddreg [dreg:$0x1];
	p0 =	sne.s32 s2, $0x0  }
0xe1: {  	s3 =	rddreg [dreg:$0x2];
	[bflag:$0x3] =	sbarrier.arrive $0xFFFF;
	s2 =	simm.s32 @!p0 $0x1C06  }
0xe2: {  	[timem:s3], [sflag:s2] =	dma.local @!p0 [hbm:s0], s1  }
0xe3: {  	s0 =	simm.s32 @!p0 $0x6  }
0xe4: {  	_ =	swait.ge @!p0 [sflag:s0], s1  }
0xe5: {  	s1 =	ssub.s32 @!p0 $0x0, s1;
	[sflag:s0] =	ssyncset.done @!p0 $0x0  }
0xe6: {  	[sflag:s0] =	ssyncadd.s32 @!p0 s1  }
0xe7: {  	[bflag:$0x3] =	sbarrier.arrive $0xFFFF  }
0xe8: {  	_ =	shalt  }

</sc_bundles>
